<compile_context>
chip_gen: v7x
topology: tpu7x:2x2x1
jax: 0.10.2.dev20260603
libtpu: 0.0.44.dev20260713+nightly
codegen_flags: <defaults>
</compile_context>

<pallas_src>
import functools

import numpy as np

import jax
import jax.numpy as jnp
from jax import lax
from jax.experimental import pallas as pl
from jax.experimental.pallas import tpu as pltpu
from jax.experimental.pallas import tpu_sc as plsc

N = 10000
D = 128
E = 320000
NC = 2
NS = 16
NW = NC * NS
CHUNK = 125
CHUNKS = 80
PHASES = 2
CPP = CHUNKS // PHASES
N_ACC = 10240
ROWS_PT = N_ACC // NS


def _sc_aggregate_body(with_deg, x_hbm, src_hbm, dst_hbm, z_hbm, z1_hbm,
                       agg_hbm, deg_hbm, src_v, dst_v, rows0_v, rows1_v,
                       ones_v, acc_sh, deg_sh, gsem0, gsem1, ssem0, ssem1,
                       osem0, osem1):
    c = lax.axis_index("c")
    s = lax.axis_index("s")
    wid = c * NS + s
    r0 = s * ROWS_PT
    rows = (rows0_v, rows1_v)
    gsem = (gsem0, gsem1)
    ssem = (ssem0, ssem1)
    osem = (osem0, osem1)

    def gather(j, b):
        pltpu.async_copy(x_hbm.at[src_v.at[j]], rows[b], gsem[b])

    def wait_gather(j, b):
        pltpu.make_async_copy(x_hbm.at[src_v.at[j]], rows[b], gsem[b]).wait()

    def scatter(j, b):
        pltpu.async_copy(rows[b], acc_sh.at[dst_v.at[j]], ssem[b], add=True)
        if with_deg:
            pltpu.async_copy(ones_v, deg_sh.at[dst_v.at[j]], osem[b], add=True)

    def wait_scatter(j, b):
        pltpu.make_async_copy(rows[b], acc_sh.at[dst_v.at[j]], ssem[b]).wait()
        if with_deg:
            pltpu.make_async_copy(ones_v, deg_sh.at[dst_v.at[j]],
                                  osem[b]).wait()

    pltpu.sync_copy(src_hbm.at[wid, 0], src_v)
    pltpu.sync_copy(dst_hbm.at[wid, 0], dst_v)
    gather(0, 0)
    gather(1, 1)

    if with_deg:
        for i in range(CHUNK // 16):
            ones_v[pl.ds(i * 16, 16)] = jnp.full((16,), 1.0, jnp.float32)
        if CHUNK % 16:
            ones_v[pl.ds(CHUNK - 16, 16)] = jnp.full((16,), 1.0, jnp.float32)

    pltpu.sync_copy(z_hbm.at[pl.ds(r0, ROWS_PT)], acc_sh.at[pl.ds(r0, ROWS_PT)])
    if with_deg:
        pltpu.sync_copy(z1_hbm.at[pl.ds(r0, ROWS_PT)],
                        deg_sh.at[pl.ds(r0, ROWS_PT)])

    plsc.subcore_barrier()

    for p in range(PHASES):
        if p > 0:
            pltpu.sync_copy(src_hbm.at[wid, p], src_v)
            pltpu.sync_copy(dst_hbm.at[wid, p], dst_v)
            gather(0, 0)
            gather(1, 1)

        @pl.loop(0, (CPP - 2) // 2)
        def _pair(i):
            j0 = 2 * i
            j1 = j0 + 1
            wait_gather(j0, 0)
            scatter(j0, 0)
            wait_gather(j1, 1)
            wait_scatter(j0, 0)
            gather(j0 + 2, 0)
            scatter(j1, 1)
            wait_scatter(j1, 1)
            gather(j1 + 2, 1)

        wait_gather(CPP - 2, 0)
        scatter(CPP - 2, 0)
        wait_gather(CPP - 1, 1)
        wait_scatter(CPP - 2, 0)
        scatter(CPP - 1, 1)
        wait_scatter(CPP - 1, 1)

    plsc.subcore_barrier()

    pltpu.sync_copy(acc_sh.at[pl.ds(r0, ROWS_PT)],
                    agg_hbm.at[c, pl.ds(r0, ROWS_PT)])
    if with_deg:
        pltpu.sync_copy(deg_sh.at[pl.ds(r0, ROWS_PT)],
                        deg_hbm.at[c, pl.ds(r0, ROWS_PT)])


@functools.cache
def _make_sc_aggregate(with_deg):
  return pl.kernel(
    functools.partial(_sc_aggregate_body, with_deg),
    out_type=(
        jax.ShapeDtypeStruct((NC, N_ACC, D), jnp.float32),
        jax.ShapeDtypeStruct((NC, N_ACC), jnp.float32),
    ),
    mesh=plsc.VectorSubcoreMesh(core_axis_name="c", subcore_axis_name="s",
                                num_cores=NC, num_subcores=NS),
    scratch_types=[
        pltpu.VMEM((CPP, CHUNK), jnp.int32),
        pltpu.VMEM((CPP, CHUNK), jnp.int32),
        pltpu.VMEM((CHUNK, D), jnp.float32),
        pltpu.VMEM((CHUNK, D), jnp.float32),
        pltpu.VMEM((CHUNK,), jnp.float32),
        pltpu.VMEM_SHARED((N_ACC, D), jnp.float32),
        pltpu.VMEM_SHARED((N_ACC,), jnp.float32),
        pltpu.SemaphoreType.DMA,
        pltpu.SemaphoreType.DMA,
        pltpu.SemaphoreType.DMA,
        pltpu.SemaphoreType.DMA,
        pltpu.SemaphoreType.DMA,
        pltpu.SemaphoreType.DMA,
    ],
    name="sc_sage_agg_deg" if with_deg else "sc_sage_agg",
  )

BM = 5000


def _tc_layer_body(x_ref, agg_ref, rdeg_ref, ws_ref, wa_ref, o_ref):
    agg = (agg_ref[0] + agg_ref[1]) * rdeg_ref[...]
    h = jnp.dot(x_ref[...], ws_ref[...], preferred_element_type=jnp.float32)
    h = h + jnp.dot(agg, wa_ref[...], preferred_element_type=jnp.float32)
    h = jnp.maximum(h, 0.0)
    ss = jnp.maximum(jnp.sum(h * h, axis=1, keepdims=True), 1e-24)
    o_ref[...] = h * lax.rsqrt(ss)


def _tc_layer(x, agg_parts, rdeg, w):
    ws, wa = w[:D], w[D:]
    return pl.pallas_call(
        _tc_layer_body,
        grid=(N // BM,),
        in_specs=[
            pl.BlockSpec((BM, D), lambda i: (i, 0)),
            pl.BlockSpec((NC, BM, D), lambda i: (0, i, 0)),
            pl.BlockSpec((BM, 1), lambda i: (i, 0)),
            pl.BlockSpec((D, D), lambda i: (0, 0)),
            pl.BlockSpec((D, D), lambda i: (0, 0)),
        ],
        out_specs=pl.BlockSpec((BM, D), lambda i: (i, 0)),
        out_shape=jax.ShapeDtypeStruct((N, D), jnp.float32),
    )(x, agg_parts, rdeg, ws, wa)


_ZEROS2D = np.zeros((N_ACC, D), np.float32)
_ZEROS1D = np.zeros((N_ACC,), np.float32)


@jax.jit
def kernel(x, adj, past, W1, W2):
    del past
    zeros2d = _ZEROS2D
    zeros1d = _ZEROS1D

    src = adj[0].reshape(NW, PHASES, CPP, CHUNK)
    dst = adj[1].reshape(NW, PHASES, CPP, CHUNK)

    agg1, deg = _make_sc_aggregate(True)(x, src, dst, zeros2d, zeros1d)
    rdeg = (1.0 / jnp.maximum(deg[0, :N] + deg[1, :N], 1.0)).reshape(N, 1)
    h = _tc_layer(x, agg1, rdeg, W1)
    agg2, _ = _make_sc_aggregate(False)(h, src, dst, zeros2d, zeros1d)
    feat = _tc_layer(h, agg2, rdeg, W2)
    return feat

# --- scband reference (transcript-rebuilt; emitter-appended) ---
"""Pipeline reference for scband-dygraph-sage-46772193853696 (READ-ONLY COPY).

The authoritative reference and input builder live on the scoring server;
editing this copy changes nothing except your own understanding.
"""

import jax, jax.numpy as jnp
import numpy as np

N = 10000
D = 128
H = 128
O = 128
E = 320000


def sage_layer(x, src, dst, W, num_nodes):
    # mean-aggregate neighbor features (gather + scatter-add), then linear + relu + l2-normalize
    msgs = x[src]  # gather
    agg = jax.ops.segment_sum(msgs, dst, num_segments=num_nodes)  # scatter-add
    deg = jax.ops.segment_sum(jnp.ones((src.shape[0],), x.dtype), dst, num_segments=num_nodes)
    agg = agg / jnp.maximum(deg, 1.0)[:, None]
    h = jnp.concatenate([x, agg], axis=1) @ W
    h = jax.nn.relu(h)
    nrm = jnp.sqrt(jnp.sum(h * h, axis=1, keepdims=True))
    return h / jnp.maximum(nrm, 1e-12)


def setup_inputs(seed: int = 0) -> dict:
    key = jax.random.key(seed)
    k1, k2, k3, k4 = jax.random.split(key, 4)
    x = jax.random.normal(k1, (N, D), dtype=jnp.float32)
    adj = jax.random.randint(k2, (2, E), 0, N, dtype=jnp.int32)
    past = jnp.zeros((0,), dtype=jnp.float32)  # empty past -> len(past) < group_num-1 branch
    # learned parameters (graphSAGE layers: concat(self, agg) @ W)
    W1 = jax.random.normal(k3, (2 * D, H), dtype=jnp.float32) * (1.0 / np.sqrt(2 * D))
    W2 = jax.random.normal(k4, (2 * H, O), dtype=jnp.float32) * (1.0 / np.sqrt(2 * H))
    return {"x": x, "adj": adj, "past": past, "W1": W1, "W2": W2}


def reference(x, adj, past, W1, W2):
    src = adj[0]
    dst = adj[1]
    h = sage_layer(x, src, dst, W1, N)
    feat = sage_layer(h, src, dst, W2, N)
    # len(past) == 0 < group_num - 1 == 2 -> return feat directly (time aggregation skipped)
    return feat

if __name__ == "__main__":
    import jax
    _d = setup_inputs()
    print(jax.jit(kernel)(*tuple(_d.values())))

</pallas_src>

<mosaic_0001>
#map = affine_map<(d0, d1) -> (0, 0)>
#map1 = affine_map<(d0, d1) -> (0, 0, 0, 0)>
#map2 = affine_map<(d0, d1) -> (0)>
#map3 = affine_map<(d0, d1) -> (0, 0, 0)>
module attributes {stable_mosaic.version = 14 : i64} {
  func.func @sc_sage_agg_deg(%arg0: i32, %arg1: i32, %arg2: memref<10000x128xf32, #tpu.memory_space<hbm>>, %arg3: memref<32x2x40x125xi32, #tpu.memory_space<hbm>>, %arg4: memref<32x2x40x125xi32, #tpu.memory_space<hbm>>, %arg5: memref<10240x128xf32, #tpu.memory_space<hbm>>, %arg6: memref<10240xf32, #tpu.memory_space<hbm>>, %arg7: memref<2x10240x128xf32, #tpu.memory_space<hbm>>, %arg8: memref<2x10240xf32, #tpu.memory_space<hbm>>, %arg9: memref<40x125xi32, #tpu.memory_space<vmem>>, %arg10: memref<40x125xi32, #tpu.memory_space<vmem>>, %arg11: memref<125x128xf32, #tpu.memory_space<vmem>>, %arg12: memref<125x128xf32, #tpu.memory_space<vmem>>, %arg13: memref<125xf32, #tpu.memory_space<vmem>>, %arg14: memref<10240x128xf32, #tpu.memory_space<vmem_shared>>, %arg15: memref<10240xf32, #tpu.memory_space<vmem_shared>>, %arg16: memref<!tpu.dma_semaphore, #tpu.memory_space<semaphore_mem>>, %arg17: memref<!tpu.dma_semaphore, #tpu.memory_space<semaphore_mem>>, %arg18: memref<!tpu.dma_semaphore, #tpu.memory_space<semaphore_mem>>, %arg19: memref<!tpu.dma_semaphore, #tpu.memory_space<semaphore_mem>>, %arg20: memref<!tpu.dma_semaphore, #tpu.memory_space<semaphore_mem>>, %arg21: memref<!tpu.dma_semaphore, #tpu.memory_space<semaphore_mem>>) attributes {dimension_semantics = [#tpu.dimension_semantics<core_parallel>, #tpu.dimension_semantics<subcore_parallel>], iteration_bounds = array<i64: 2, 16>, scalar_prefetch = 0 : i64, scratch_operands = 13 : i64, tpu.core_type = #tpu.core_type<sc_vector_subcore>, window_params = [{transform_indices = #map}, {transform_indices = #map1}, {transform_indices = #map1}, {transform_indices = #map}, {transform_indices = #map2}, {transform_indices = #map3}, {transform_indices = #map}]} {
    %mul3A = arith.constant 16 : i32
    %mul3A_0 = arith.muli %arg0, %mul3A : i32
    %add3A = arith.addi %mul3A_0, %arg1 : i32
    %mul3A_1 = arith.constant 640 : i32
    %mul3A_2 = arith.muli %arg1, %mul3A_1 : i32
    %run_scoped3A = arith.constant 0 : i32
    "tpu.region"() ({
      %run_scoped3A_220 = tpu.sem_alloc : memref<!tpu.dma_semaphore, #tpu.memory_space<semaphore_mem>>
      %dma_start3A_221 = arith.constant 0 : i32
      %dma_start3A_222 = arith.constant 0 : i32
      %dma_start3A_223 = tpu.memref_slice %arg3[%add3A, %run_scoped3A, %dma_start3A_221, %dma_start3A_222] : memref<32x2x40x125xi32, #tpu.memory_space<hbm>> -> memref<1x1x40x125xi32, #tpu.memory_space<hbm>>
      %dma_start3A_224 = tpu.memref_squeeze %dma_start3A_223 : memref<1x1x40x125xi32, #tpu.memory_space<hbm>> -> memref<40x125xi32, #tpu.memory_space<hbm>>
      %dma_start3A_225 = arith.constant 0 : i32
      %dma_start3A_226 = arith.constant 0 : i32
      %dma_start3A_227 = tpu.memref_slice %arg3[%add3A, %run_scoped3A, %dma_start3A_225, %dma_start3A_226] : memref<32x2x40x125xi32, #tpu.memory_space<hbm>> -> memref<1x1x40x125xi32, #tpu.memory_space<hbm>>
      %dma_start3A_228 = tpu.memref_squeeze %dma_start3A_227 : memref<1x1x40x125xi32, #tpu.memory_space<hbm>> -> memref<40x125xi32, #tpu.memory_space<hbm>>
      tpu.enqueue_dma source(%dma_start3A_228 : memref<40x125xi32, #tpu.memory_space<hbm>>) target(%arg9 : memref<40x125xi32, #tpu.memory_space<vmem>>) target_semaphore(%run_scoped3A_220 : memref<!tpu.dma_semaphore, #tpu.memory_space<semaphore_mem>>)
      %dma_wait3A_229 = arith.constant 0 : i32
      %dma_wait3A_230 = arith.constant 0 : i32
      %dma_wait3A_231 = tpu.memref_slice %arg3[%add3A, %run_scoped3A, %dma_wait3A_229, %dma_wait3A_230] : memref<32x2x40x125xi32, #tpu.memory_space<hbm>> -> memref<1x1x40x125xi32, #tpu.memory_space<hbm>>
      %dma_wait3A_232 = tpu.memref_squeeze %dma_wait3A_231 : memref<1x1x40x125xi32, #tpu.memory_space<hbm>> -> memref<40x125xi32, #tpu.memory_space<hbm>>
      %dma_wait3A_233 = arith.constant 0 : i32
      %dma_wait3A_234 = arith.constant 0 : i32
      %dma_wait3A_235 = tpu.memref_slice %arg3[%add3A, %run_scoped3A, %dma_wait3A_233, %dma_wait3A_234] : memref<32x2x40x125xi32, #tpu.memory_space<hbm>> -> memref<1x1x40x125xi32, #tpu.memory_space<hbm>>
      %dma_wait3A_236 = tpu.memref_squeeze %dma_wait3A_235 : memref<1x1x40x125xi32, #tpu.memory_space<hbm>> -> memref<40x125xi32, #tpu.memory_space<hbm>>
      tpu.wait_dma2 semaphore(%run_scoped3A_220 : memref<!tpu.dma_semaphore, #tpu.memory_space<semaphore_mem>>) src(%dma_wait3A_236 : memref<40x125xi32, #tpu.memory_space<hbm>>) dst(%arg9 : memref<40x125xi32, #tpu.memory_space<vmem>>)
      tpu.yield
    }) : () -> ()
    %run_scoped3A_3 = arith.constant 0 : i32
    "tpu.region"() ({
      %run_scoped3A_220 = tpu.sem_alloc : memref<!tpu.dma_semaphore, #tpu.memory_space<semaphore_mem>>
      %dma_start3A_221 = arith.constant 0 : i32
      %dma_start3A_222 = arith.constant 0 : i32
      %dma_start3A_223 = tpu.memref_slice %arg4[%add3A, %run_scoped3A_3, %dma_start3A_221, %dma_start3A_222] : memref<32x2x40x125xi32, #tpu.memory_space<hbm>> -> memref<1x1x40x125xi32, #tpu.memory_space<hbm>>
      %dma_start3A_224 = tpu.memref_squeeze %dma_start3A_223 : memref<1x1x40x125xi32, #tpu.memory_space<hbm>> -> memref<40x125xi32, #tpu.memory_space<hbm>>
      %dma_start3A_225 = arith.constant 0 : i32
      %dma_start3A_226 = arith.constant 0 : i32
      %dma_start3A_227 = tpu.memref_slice %arg4[%add3A, %run_scoped3A_3, %dma_start3A_225, %dma_start3A_226] : memref<32x2x40x125xi32, #tpu.memory_space<hbm>> -> memref<1x1x40x125xi32, #tpu.memory_space<hbm>>
      %dma_start3A_228 = tpu.memref_squeeze %dma_start3A_227 : memref<1x1x40x125xi32, #tpu.memory_space<hbm>> -> memref<40x125xi32, #tpu.memory_space<hbm>>
      tpu.enqueue_dma source(%dma_start3A_228 : memref<40x125xi32, #tpu.memory_space<hbm>>) target(%arg10 : memref<40x125xi32, #tpu.memory_space<vmem>>) target_semaphore(%run_scoped3A_220 : memref<!tpu.dma_semaphore, #tpu.memory_space<semaphore_mem>>)
      %dma_wait3A_229 = arith.constant 0 : i32
      %dma_wait3A_230 = arith.constant 0 : i32
      %dma_wait3A_231 = tpu.memref_slice %arg4[%add3A, %run_scoped3A_3, %dma_wait3A_229, %dma_wait3A_230] : memref<32x2x40x125xi32, #tpu.memory_space<hbm>> -> memref<1x1x40x125xi32, #tpu.memory_space<hbm>>
      %dma_wait3A_232 = tpu.memref_squeeze %dma_wait3A_231 : memref<1x1x40x125xi32, #tpu.memory_space<hbm>> -> memref<40x125xi32, #tpu.memory_space<hbm>>
      %dma_wait3A_233 = arith.constant 0 : i32
      %dma_wait3A_234 = arith.constant 0 : i32
      %dma_wait3A_235 = tpu.memref_slice %arg4[%add3A, %run_scoped3A_3, %dma_wait3A_233, %dma_wait3A_234] : memref<32x2x40x125xi32, #tpu.memory_space<hbm>> -> memref<1x1x40x125xi32, #tpu.memory_space<hbm>>
      %dma_wait3A_236 = tpu.memref_squeeze %dma_wait3A_235 : memref<1x1x40x125xi32, #tpu.memory_space<hbm>> -> memref<40x125xi32, #tpu.memory_space<hbm>>
      tpu.wait_dma2 semaphore(%run_scoped3A_220 : memref<!tpu.dma_semaphore, #tpu.memory_space<semaphore_mem>>) src(%dma_wait3A_236 : memref<40x125xi32, #tpu.memory_space<hbm>>) dst(%arg10 : memref<40x125xi32, #tpu.memory_space<vmem>>)
      tpu.yield
    }) : () -> ()
    %dma_start3A = arith.constant 0 : i32
    %dma_start3A_4 = arith.constant 0 : i32
    %dma_start3A_5 = tpu.memref_slice %arg9[%dma_start3A, %dma_start3A_4] : memref<40x125xi32, #tpu.memory_space<vmem>> -> memref<1x125xi32, #tpu.memory_space<vmem>>
    %dma_start3A_6 = tpu.memref_squeeze %dma_start3A_5 : memref<1x125xi32, #tpu.memory_space<vmem>> -> memref<125xi32, #tpu.memory_space<vmem>>
    %dma_start3A_7 = arith.constant 0 : i32
    %dma_start3A_8 = arith.constant 0 : i32
    %dma_start3A_9 = tpu.memref_slice %arg2[%dma_start3A_7, %dma_start3A_8] : memref<10000x128xf32, #tpu.memory_space<hbm>> -> memref<10000x128xf32, #tpu.memory_space<hbm>>
    tpu.enqueue_indirect_dma source(%dma_start3A_9 : memref<10000x128xf32, #tpu.memory_space<hbm>>) target(%arg11 : memref<125x128xf32, #tpu.memory_space<vmem>>) offsets(%dma_start3A_6 : memref<125xi32, #tpu.memory_space<vmem>>) semaphore(%arg16 : memref<!tpu.dma_semaphore, #tpu.memory_space<semaphore_mem>>)
    %dma_start3A_10 = arith.constant 1 : i32
    %dma_start3A_11 = arith.constant 0 : i32
    %dma_start3A_12 = tpu.memref_slice %arg9[%dma_start3A_10, %dma_start3A_11] : memref<40x125xi32, #tpu.memory_space<vmem>> -> memref<1x125xi32, #tpu.memory_space<vmem>>
    %dma_start3A_13 = tpu.memref_squeeze %dma_start3A_12 : memref<1x125xi32, #tpu.memory_space<vmem>> -> memref<125xi32, #tpu.memory_space<vmem>>
    %dma_start3A_14 = arith.constant 0 : i32
    %dma_start3A_15 = arith.constant 0 : i32
    %dma_start3A_16 = tpu.memref_slice %arg2[%dma_start3A_14, %dma_start3A_15] : memref<10000x128xf32, #tpu.memory_space<hbm>> -> memref<10000x128xf32, #tpu.memory_space<hbm>>
    tpu.enqueue_indirect_dma source(%dma_start3A_16 : memref<10000x128xf32, #tpu.memory_space<hbm>>) target(%arg12 : memref<125x128xf32, #tpu.memory_space<vmem>>) offsets(%dma_start3A_13 : memref<125xi32, #tpu.memory_space<vmem>>) semaphore(%arg17 : memref<!tpu.dma_semaphore, #tpu.memory_space<semaphore_mem>>)
    %broadcast_in_dim3A = arith.constant 1.000000e+00 : f32
    %broadcast_in_dim3A_17 = vector.broadcast %broadcast_in_dim3A : f32 to vector<16xf32>
    %swap3A = arith.constant 0 : index
    %swap3A_18 = tpu.vector_load %arg13[%swap3A] {strides = array<i32>} : memref<125xf32, #tpu.memory_space<vmem>>, vector<16xf32>,
    %swap3A_19 = vector.shape_cast %swap3A_18 : vector<16xf32> to vector<16xf32>
    %swap3A_20 = vector.shape_cast %broadcast_in_dim3A_17 : vector<16xf32> to vector<16xf32>
    tpu.vector_store %arg13[%swap3A], %swap3A_20 {strides = array<i32>} : memref<125xf32, #tpu.memory_space<vmem>>, vector<16xf32>,
    %broadcast_in_dim3A_21 = arith.constant 1.000000e+00 : f32
    %broadcast_in_dim3A_22 = vector.broadcast %broadcast_in_dim3A_21 : f32 to vector<16xf32>
    %swap3A_23 = arith.constant 16 : index
    %swap3A_24 = tpu.vector_load %arg13[%swap3A_23] {strides = array<i32>} : memref<125xf32, #tpu.memory_space<vmem>>, vector<16xf32>,
    %swap3A_25 = vector.shape_cast %swap3A_24 : vector<16xf32> to vector<16xf32>
    %swap3A_26 = vector.shape_cast %broadcast_in_dim3A_22 : vector<16xf32> to vector<16xf32>
    tpu.vector_store %arg13[%swap3A_23], %swap3A_26 {strides = array<i32>} : memref<125xf32, #tpu.memory_space<vmem>>, vector<16xf32>,
    %broadcast_in_dim3A_27 = arith.constant 1.000000e+00 : f32
    %broadcast_in_dim3A_28 = vector.broadcast %broadcast_in_dim3A_27 : f32 to vector<16xf32>
    %swap3A_29 = arith.constant 32 : index
    %swap3A_30 = tpu.vector_load %arg13[%swap3A_29] {strides = array<i32>} : memref<125xf32, #tpu.memory_space<vmem>>, vector<16xf32>,
    %swap3A_31 = vector.shape_cast %swap3A_30 : vector<16xf32> to vector<16xf32>
    %swap3A_32 = vector.shape_cast %broadcast_in_dim3A_28 : vector<16xf32> to vector<16xf32>
    tpu.vector_store %arg13[%swap3A_29], %swap3A_32 {strides = array<i32>} : memref<125xf32, #tpu.memory_space<vmem>>, vector<16xf32>,
    %broadcast_in_dim3A_33 = arith.constant 1.000000e+00 : f32
    %broadcast_in_dim3A_34 = vector.broadcast %broadcast_in_dim3A_33 : f32 to vector<16xf32>
    %swap3A_35 = arith.constant 48 : index
    %swap3A_36 = tpu.vector_load %arg13[%swap3A_35] {strides = array<i32>} : memref<125xf32, #tpu.memory_space<vmem>>, vector<16xf32>,
    %swap3A_37 = vector.shape_cast %swap3A_36 : vector<16xf32> to vector<16xf32>
    %swap3A_38 = vector.shape_cast %broadcast_in_dim3A_34 : vector<16xf32> to vector<16xf32>
    tpu.vector_store %arg13[%swap3A_35], %swap3A_38 {strides = array<i32>} : memref<125xf32, #tpu.memory_space<vmem>>, vector<16xf32>,
    %broadcast_in_dim3A_39 = arith.constant 1.000000e+00 : f32
    %broadcast_in_dim3A_40 = vector.broadcast %broadcast_in_dim3A_39 : f32 to vector<16xf32>
    %swap3A_41 = arith.constant 64 : index
    %swap3A_42 = tpu.vector_load %arg13[%swap3A_41] {strides = array<i32>} : memref<125xf32, #tpu.memory_space<vmem>>, vector<16xf32>,
    %swap3A_43 = vector.shape_cast %swap3A_42 : vector<16xf32> to vector<16xf32>
    %swap3A_44 = vector.shape_cast %broadcast_in_dim3A_40 : vector<16xf32> to vector<16xf32>
    tpu.vector_store %arg13[%swap3A_41], %swap3A_44 {strides = array<i32>} : memref<125xf32, #tpu.memory_space<vmem>>, vector<16xf32>,
    %broadcast_in_dim3A_45 = arith.constant 1.000000e+00 : f32
    %broadcast_in_dim3A_46 = vector.broadcast %broadcast_in_dim3A_45 : f32 to vector<16xf32>
    %swap3A_47 = arith.constant 80 : index
    %swap3A_48 = tpu.vector_load %arg13[%swap3A_47] {strides = array<i32>} : memref<125xf32, #tpu.memory_space<vmem>>, vector<16xf32>,
    %swap3A_49 = vector.shape_cast %swap3A_48 : vector<16xf32> to vector<16xf32>
    %swap3A_50 = vector.shape_cast %broadcast_in_dim3A_46 : vector<16xf32> to vector<16xf32>
    tpu.vector_store %arg13[%swap3A_47], %swap3A_50 {strides = array<i32>} : memref<125xf32, #tpu.memory_space<vmem>>, vector<16xf32>,
    %broadcast_in_dim3A_51 = arith.constant 1.000000e+00 : f32
    %broadcast_in_dim3A_52 = vector.broadcast %broadcast_in_dim3A_51 : f32 to vector<16xf32>
    %swap3A_53 = arith.constant 96 : index
    %swap3A_54 = tpu.vector_load %arg13[%swap3A_53] {strides = array<i32>} : memref<125xf32, #tpu.memory_space<vmem>>, vector<16xf32>,
    %swap3A_55 = vector.shape_cast %swap3A_54 : vector<16xf32> to vector<16xf32>
    %swap3A_56 = vector.shape_cast %broadcast_in_dim3A_52 : vector<16xf32> to vector<16xf32>
    tpu.vector_store %arg13[%swap3A_53], %swap3A_56 {strides = array<i32>} : memref<125xf32, #tpu.memory_space<vmem>>, vector<16xf32>,
    %broadcast_in_dim3A_57 = arith.constant 1.000000e+00 : f32
    %broadcast_in_dim3A_58 = vector.broadcast %broadcast_in_dim3A_57 : f32 to vector<16xf32>
    %swap3A_59 = arith.constant 109 : index
    %swap3A_60 = tpu.vector_load %arg13[%swap3A_59] {strides = array<i32>} : memref<125xf32, #tpu.memory_space<vmem>>, vector<16xf32>,
    %swap3A_61 = vector.shape_cast %swap3A_60 : vector<16xf32> to vector<16xf32>
    %swap3A_62 = vector.shape_cast %broadcast_in_dim3A_58 : vector<16xf32> to vector<16xf32>
    tpu.vector_store %arg13[%swap3A_59], %swap3A_62 {strides = array<i32>} : memref<125xf32, #tpu.memory_space<vmem>>, vector<16xf32>,
    "tpu.region"() ({
      %run_scoped3A_220 = tpu.sem_alloc : memref<!tpu.dma_semaphore, #tpu.memory_space<semaphore_mem>>
      %dma_start3A_221 = arith.constant 0 : i32
      %dma_start3A_222 = tpu.memref_slice %arg14[%mul3A_2, %dma_start3A_221] : memref<10240x128xf32, #tpu.memory_space<vmem_shared>> -> memref<640x128xf32, #tpu.memory_space<vmem_shared>>
      %dma_start3A_223 = arith.constant 0 : i32
      %dma_start3A_224 = tpu.memref_slice %arg5[%mul3A_2, %dma_start3A_223] : memref<10240x128xf32, #tpu.memory_space<hbm>> -> memref<640x128xf32, #tpu.memory_space<hbm>>
      tpu.enqueue_dma source(%dma_start3A_224 : memref<640x128xf32, #tpu.memory_space<hbm>>) target(%dma_start3A_222 : memref<640x128xf32, #tpu.memory_space<vmem_shared>>) target_semaphore(%run_scoped3A_220 : memref<!tpu.dma_semaphore, #tpu.memory_space<semaphore_mem>>)
      %dma_wait3A_225 = arith.constant 0 : i32
      %dma_wait3A_226 = tpu.memref_slice %arg14[%mul3A_2, %dma_wait3A_225] : memref<10240x128xf32, #tpu.memory_space<vmem_shared>> -> memref<640x128xf32, #tpu.memory_space<vmem_shared>>
      %dma_wait3A_227 = arith.constant 0 : i32
      %dma_wait3A_228 = tpu.memref_slice %arg5[%mul3A_2, %dma_wait3A_227] : memref<10240x128xf32, #tpu.memory_space<hbm>> -> memref<640x128xf32, #tpu.memory_space<hbm>>
      tpu.wait_dma2 semaphore(%run_scoped3A_220 : memref<!tpu.dma_semaphore, #tpu.memory_space<semaphore_mem>>) src(%dma_wait3A_228 : memref<640x128xf32, #tpu.memory_space<hbm>>) dst(%dma_wait3A_226 : memref<640x128xf32, #tpu.memory_space<vmem_shared>>)
      tpu.yield
    }) : () -> ()
    "tpu.region"() ({
      %run_scoped3A_220 = tpu.sem_alloc : memref<!tpu.dma_semaphore, #tpu.memory_space<semaphore_mem>>
      %dma_start3A_221 = tpu.memref_slice %arg15[%mul3A_2] : memref<10240xf32, #tpu.memory_space<vmem_shared>> -> memref<640xf32, #tpu.memory_space<vmem_shared>>
      %dma_start3A_222 = tpu.memref_slice %arg6[%mul3A_2] : memref<10240xf32, #tpu.memory_space<hbm>> -> memref<640xf32, #tpu.memory_space<hbm>>
      tpu.enqueue_dma source(%dma_start3A_222 : memref<640xf32, #tpu.memory_space<hbm>>) target(%dma_start3A_221 : memref<640xf32, #tpu.memory_space<vmem_shared>>) target_semaphore(%run_scoped3A_220 : memref<!tpu.dma_semaphore, #tpu.memory_space<semaphore_mem>>)
      %dma_wait3A_223 = tpu.memref_slice %arg15[%mul3A_2] : memref<10240xf32, #tpu.memory_space<vmem_shared>> -> memref<640xf32, #tpu.memory_space<vmem_shared>>
      %dma_wait3A_224 = tpu.memref_slice %arg6[%mul3A_2] : memref<10240xf32, #tpu.memory_space<hbm>> -> memref<640xf32, #tpu.memory_space<hbm>>
      tpu.wait_dma2 semaphore(%run_scoped3A_220 : memref<!tpu.dma_semaphore, #tpu.memory_space<semaphore_mem>>) src(%dma_wait3A_224 : memref<640xf32, #tpu.memory_space<hbm>>) dst(%dma_wait3A_223 : memref<640xf32, #tpu.memory_space<vmem_shared>>)
      tpu.yield
    }) : () -> ()
    %barrier3A = arith.constant 0 : index
    tpu.barrier barrier_id(%barrier3A)
    %scan3A = arith.constant 0 : i32
    %scan3A_63 = arith.constant 19 : i32
    %scan3A_64 = arith.addi %scan3A, %scan3A_63 : i32
    %scan3A_65 = arith.constant 1 : i32
    scf.for %scan3A_220 = %scan3A to %scan3A_64 step %scan3A_65  : i32 {
      %mul3A_221 = arith.constant 1 : i32
      %mul3A_222 = arith.muli %scan3A_220, %mul3A_221 : i32
      %add3A_223 = arith.constant 0 : i32
      %add3A_224 = arith.addi %add3A_223, %mul3A_222 : i32
      %mul3A_225 = arith.constant 2 : i32
      %mul3A_226 = arith.muli %mul3A_225, %add3A_224 : i32
      %add3A_227 = arith.constant 1 : i32
      %add3A_228 = arith.addi %mul3A_226, %add3A_227 : i32
      %dma_wait3A_229 = arith.constant 0 : i32
      %dma_wait3A_230 = tpu.memref_slice %arg9[%mul3A_226, %dma_wait3A_229] : memref<40x125xi32, #tpu.memory_space<vmem>> -> memref<1x125xi32, #tpu.memory_space<vmem>>
      %dma_wait3A_231 = tpu.memref_squeeze %dma_wait3A_230 : memref<1x125xi32, #tpu.memory_space<vmem>> -> memref<125xi32, #tpu.memory_space<vmem>>
      %dma_wait3A_232 = arith.constant 0 : i32
      %dma_wait3A_233 = arith.constant 0 : i32
      %dma_wait3A_234 = tpu.memref_slice %arg2[%dma_wait3A_232, %dma_wait3A_233] : memref<10000x128xf32, #tpu.memory_space<hbm>> -> memref<10000x128xf32, #tpu.memory_space<hbm>>
      tpu.wait_indirect_dma semaphore(%arg16 : memref<!tpu.dma_semaphore, #tpu.memory_space<semaphore_mem>>) src(%dma_wait3A_234 : memref<10000x128xf32, #tpu.memory_space<hbm>>) dst(%arg11 : memref<125x128xf32, #tpu.memory_space<vmem>>)
      %dma_start3A_235 = arith.constant 0 : i32
      %dma_start3A_236 = tpu.memref_slice %arg10[%mul3A_226, %dma_start3A_235] : memref<40x125xi32, #tpu.memory_space<vmem>> -> memref<1x125xi32, #tpu.memory_space<vmem>>
      %dma_start3A_237 = tpu.memref_squeeze %dma_start3A_236 : memref<1x125xi32, #tpu.memory_space<vmem>> -> memref<125xi32, #tpu.memory_space<vmem>>
      %dma_start3A_238 = arith.constant 0 : i32
      %dma_start3A_239 = arith.constant 0 : i32
      %dma_start3A_240 = tpu.memref_slice %arg14[%dma_start3A_238, %dma_start3A_239] : memref<10240x128xf32, #tpu.memory_space<vmem_shared>> -> memref<10240x128xf32, #tpu.memory_space<vmem_shared>>
      tpu.enqueue_indirect_dma source(%arg11 : memref<125x128xf32, #tpu.memory_space<vmem>>) target(%dma_start3A_240 : memref<10240x128xf32, #tpu.memory_space<vmem_shared>>) offsets(%dma_start3A_237 : memref<125xi32, #tpu.memory_space<vmem>>) semaphore(%arg18 : memref<!tpu.dma_semaphore, #tpu.memory_space<semaphore_mem>>) {add = true}
      %dma_start3A_241 = arith.constant 0 : i32
      %dma_start3A_242 = tpu.memref_slice %arg10[%mul3A_226, %dma_start3A_241] : memref<40x125xi32, #tpu.memory_space<vmem>> -> memref<1x125xi32, #tpu.memory_space<vmem>>
      %dma_start3A_243 = tpu.memref_squeeze %dma_start3A_242 : memref<1x125xi32, #tpu.memory_space<vmem>> -> memref<125xi32, #tpu.memory_space<vmem>>
      %dma_start3A_244 = arith.constant 0 : i32
      %dma_start3A_245 = tpu.memref_slice %arg15[%dma_start3A_244] : memref<10240xf32, #tpu.memory_space<vmem_shared>> -> memref<10240xf32, #tpu.memory_space<vmem_shared>>
      tpu.enqueue_indirect_dma source(%arg13 : memref<125xf32, #tpu.memory_space<vmem>>) target(%dma_start3A_245 : memref<10240xf32, #tpu.memory_space<vmem_shared>>) offsets(%dma_start3A_243 : memref<125xi32, #tpu.memory_space<vmem>>) semaphore(%arg20 : memref<!tpu.dma_semaphore, #tpu.memory_space<semaphore_mem>>) {add = true}
      %dma_wait3A_246 = arith.constant 0 : i32
      %dma_wait3A_247 = tpu.memref_slice %arg9[%add3A_228, %dma_wait3A_246] : memref<40x125xi32, #tpu.memory_space<vmem>> -> memref<1x125xi32, #tpu.memory_space<vmem>>
      %dma_wait3A_248 = tpu.memref_squeeze %dma_wait3A_247 : memref<1x125xi32, #tpu.memory_space<vmem>> -> memref<125xi32, #tpu.memory_space<vmem>>
      %dma_wait3A_249 = arith.constant 0 : i32
      %dma_wait3A_250 = arith.constant 0 : i32
      %dma_wait3A_251 = tpu.memref_slice %arg2[%dma_wait3A_249, %dma_wait3A_250] : memref<10000x128xf32, #tpu.memory_space<hbm>> -> memref<10000x128xf32, #tpu.memory_space<hbm>>
      tpu.wait_indirect_dma semaphore(%arg17 : memref<!tpu.dma_semaphore, #tpu.memory_space<semaphore_mem>>) src(%dma_wait3A_251 : memref<10000x128xf32, #tpu.memory_space<hbm>>) dst(%arg12 : memref<125x128xf32, #tpu.memory_space<vmem>>)
      %dma_wait3A_252 = arith.constant 0 : i32
      %dma_wait3A_253 = tpu.memref_slice %arg10[%mul3A_226, %dma_wait3A_252] : memref<40x125xi32, #tpu.memory_space<vmem>> -> memref<1x125xi32, #tpu.memory_space<vmem>>
      %dma_wait3A_254 = tpu.memref_squeeze %dma_wait3A_253 : memref<1x125xi32, #tpu.memory_space<vmem>> -> memref<125xi32, #tpu.memory_space<vmem>>
      %dma_wait3A_255 = arith.constant 0 : i32
      %dma_wait3A_256 = arith.constant 0 : i32
      %dma_wait3A_257 = tpu.memref_slice %arg14[%dma_wait3A_255, %dma_wait3A_256] : memref<10240x128xf32, #tpu.memory_space<vmem_shared>> -> memref<10240x128xf32, #tpu.memory_space<vmem_shared>>
      tpu.wait_indirect_dma semaphore(%arg18 : memref<!tpu.dma_semaphore, #tpu.memory_space<semaphore_mem>>) src(%arg11 : memref<125x128xf32, #tpu.memory_space<vmem>>) dst(%dma_wait3A_257 : memref<10240x128xf32, #tpu.memory_space<vmem_shared>>)
      %dma_wait3A_258 = arith.constant 0 : i32
      %dma_wait3A_259 = tpu.memref_slice %arg10[%mul3A_226, %dma_wait3A_258] : memref<40x125xi32, #tpu.memory_space<vmem>> -> memref<1x125xi32, #tpu.memory_space<vmem>>
      %dma_wait3A_260 = tpu.memref_squeeze %dma_wait3A_259 : memref<1x125xi32, #tpu.memory_space<vmem>> -> memref<125xi32, #tpu.memory_space<vmem>>
      %dma_wait3A_261 = arith.constant 0 : i32
      %dma_wait3A_262 = tpu.memref_slice %arg15[%dma_wait3A_261] : memref<10240xf32, #tpu.memory_space<vmem_shared>> -> memref<10240xf32, #tpu.memory_space<vmem_shared>>
      tpu.wait_indirect_dma semaphore(%arg20 : memref<!tpu.dma_semaphore, #tpu.memory_space<semaphore_mem>>) src(%arg13 : memref<125xf32, #tpu.memory_space<vmem>>) dst(%dma_wait3A_262 : memref<10240xf32, #tpu.memory_space<vmem_shared>>)
      %add3A_263 = arith.constant 2 : i32
      %add3A_264 = arith.addi %mul3A_226, %add3A_263 : i32
      %dma_start3A_265 = arith.constant 0 : i32
      %dma_start3A_266 = tpu.memref_slice %arg9[%add3A_264, %dma_start3A_265] : memref<40x125xi32, #tpu.memory_space<vmem>> -> memref<1x125xi32, #tpu.memory_space<vmem>>
      %dma_start3A_267 = tpu.memref_squeeze %dma_start3A_266 : memref<1x125xi32, #tpu.memory_space<vmem>> -> memref<125xi32, #tpu.memory_space<vmem>>
      %dma_start3A_268 = arith.constant 0 : i32
      %dma_start3A_269 = arith.constant 0 : i32
      %dma_start3A_270 = tpu.memref_slice %arg2[%dma_start3A_268, %dma_start3A_269] : memref<10000x128xf32, #tpu.memory_space<hbm>> -> memref<10000x128xf32, #tpu.memory_space<hbm>>
      tpu.enqueue_indirect_dma source(%dma_start3A_270 : memref<10000x128xf32, #tpu.memory_space<hbm>>) target(%arg11 : memref<125x128xf32, #tpu.memory_space<vmem>>) offsets(%dma_start3A_267 : memref<125xi32, #tpu.memory_space<vmem>>) semaphore(%arg16 : memref<!tpu.dma_semaphore, #tpu.memory_space<semaphore_mem>>)
      %dma_start3A_271 = arith.constant 0 : i32
      %dma_start3A_272 = tpu.memref_slice %arg10[%add3A_228, %dma_start3A_271] : memref<40x125xi32, #tpu.memory_space<vmem>> -> memref<1x125xi32, #tpu.memory_space<vmem>>
      %dma_start3A_273 = tpu.memref_squeeze %dma_start3A_272 : memref<1x125xi32, #tpu.memory_space<vmem>> -> memref<125xi32, #tpu.memory_space<vmem>>
      %dma_start3A_274 = arith.constant 0 : i32
      %dma_start3A_275 = arith.constant 0 : i32
      %dma_start3A_276 = tpu.memref_slice %arg14[%dma_start3A_274, %dma_start3A_275] : memref<10240x128xf32, #tpu.memory_space<vmem_shared>> -> memref<10240x128xf32, #tpu.memory_space<vmem_shared>>
      tpu.enqueue_indirect_dma source(%arg12 : memref<125x128xf32, #tpu.memory_space<vmem>>) target(%dma_start3A_276 : memref<10240x128xf32, #tpu.memory_space<vmem_shared>>) offsets(%dma_start3A_273 : memref<125xi32, #tpu.memory_space<vmem>>) semaphore(%arg19 : memref<!tpu.dma_semaphore, #tpu.memory_space<semaphore_mem>>) {add = true}
      %dma_start3A_277 = arith.constant 0 : i32
      %dma_start3A_278 = tpu.memref_slice %arg10[%add3A_228, %dma_start3A_277] : memref<40x125xi32, #tpu.memory_space<vmem>> -> memref<1x125xi32, #tpu.memory_space<vmem>>
      %dma_start3A_279 = tpu.memref_squeeze %dma_start3A_278 : memref<1x125xi32, #tpu.memory_space<vmem>> -> memref<125xi32, #tpu.memory_space<vmem>>
      %dma_start3A_280 = arith.constant 0 : i32
      %dma_start3A_281 = tpu.memref_slice %arg15[%dma_start3A_280] : memref<10240xf32, #tpu.memory_space<vmem_shared>> -> memref<10240xf32, #tpu.memory_space<vmem_shared>>
      tpu.enqueue_indirect_dma source(%arg13 : memref<125xf32, #tpu.memory_space<vmem>>) target(%dma_start3A_281 : memref<10240xf32, #tpu.memory_space<vmem_shared>>) offsets(%dma_start3A_279 : memref<125xi32, #tpu.memory_space<vmem>>) semaphore(%arg21 : memref<!tpu.dma_semaphore, #tpu.memory_space<semaphore_mem>>) {add = true}
      %dma_wait3A_282 = arith.constant 0 : i32
      %dma_wait3A_283 = tpu.memref_slice %arg10[%add3A_228, %dma_wait3A_282] : memref<40x125xi32, #tpu.memory_space<vmem>> -> memref<1x125xi32, #tpu.memory_space<vmem>>
      %dma_wait3A_284 = tpu.memref_squeeze %dma_wait3A_283 : memref<1x125xi32, #tpu.memory_space<vmem>> -> memref<125xi32, #tpu.memory_space<vmem>>
      %dma_wait3A_285 = arith.constant 0 : i32
      %dma_wait3A_286 = arith.constant 0 : i32
      %dma_wait3A_287 = tpu.memref_slice %arg14[%dma_wait3A_285, %dma_wait3A_286] : memref<10240x128xf32, #tpu.memory_space<vmem_shared>> -> memref<10240x128xf32, #tpu.memory_space<vmem_shared>>
      tpu.wait_indirect_dma semaphore(%arg19 : memref<!tpu.dma_semaphore, #tpu.memory_space<semaphore_mem>>) src(%arg12 : memref<125x128xf32, #tpu.memory_space<vmem>>) dst(%dma_wait3A_287 : memref<10240x128xf32, #tpu.memory_space<vmem_shared>>)
      %dma_wait3A_288 = arith.constant 0 : i32
      %dma_wait3A_289 = tpu.memref_slice %arg10[%add3A_228, %dma_wait3A_288] : memref<40x125xi32, #tpu.memory_space<vmem>> -> memref<1x125xi32, #tpu.memory_space<vmem>>
      %dma_wait3A_290 = tpu.memref_squeeze %dma_wait3A_289 : memref<1x125xi32, #tpu.memory_space<vmem>> -> memref<125xi32, #tpu.memory_space<vmem>>
      %dma_wait3A_291 = arith.constant 0 : i32
      %dma_wait3A_292 = tpu.memref_slice %arg15[%dma_wait3A_291] : memref<10240xf32, #tpu.memory_space<vmem_shared>> -> memref<10240xf32, #tpu.memory_space<vmem_shared>>
      tpu.wait_indirect_dma semaphore(%arg21 : memref<!tpu.dma_semaphore, #tpu.memory_space<semaphore_mem>>) src(%arg13 : memref<125xf32, #tpu.memory_space<vmem>>) dst(%dma_wait3A_292 : memref<10240xf32, #tpu.memory_space<vmem_shared>>)
      %add3A_293 = arith.constant 2 : i32
      %add3A_294 = arith.addi %add3A_228, %add3A_293 : i32
      %dma_start3A_295 = arith.constant 0 : i32
      %dma_start3A_296 = tpu.memref_slice %arg9[%add3A_294, %dma_start3A_295] : memref<40x125xi32, #tpu.memory_space<vmem>> -> memref<1x125xi32, #tpu.memory_space<vmem>>
      %dma_start3A_297 = tpu.memref_squeeze %dma_start3A_296 : memref<1x125xi32, #tpu.memory_space<vmem>> -> memref<125xi32, #tpu.memory_space<vmem>>
      %dma_start3A_298 = arith.constant 0 : i32
      %dma_start3A_299 = arith.constant 0 : i32
      %dma_start3A_300 = tpu.memref_slice %arg2[%dma_start3A_298, %dma_start3A_299] : memref<10000x128xf32, #tpu.memory_space<hbm>> -> memref<10000x128xf32, #tpu.memory_space<hbm>>
      tpu.enqueue_indirect_dma source(%dma_start3A_300 : memref<10000x128xf32, #tpu.memory_space<hbm>>) target(%arg12 : memref<125x128xf32, #tpu.memory_space<vmem>>) offsets(%dma_start3A_297 : memref<125xi32, #tpu.memory_space<vmem>>) semaphore(%arg17 : memref<!tpu.dma_semaphore, #tpu.memory_space<semaphore_mem>>)
    }
    %scan3A_66 = arith.constant 19 : i32
    %dma_wait3A = arith.constant 38 : i32
    %dma_wait3A_67 = arith.constant 0 : i32
    %dma_wait3A_68 = tpu.memref_slice %arg9[%dma_wait3A, %dma_wait3A_67] : memref<40x125xi32, #tpu.memory_space<vmem>> -> memref<1x125xi32, #tpu.memory_space<vmem>>
    %dma_wait3A_69 = tpu.memref_squeeze %dma_wait3A_68 : memref<1x125xi32, #tpu.memory_space<vmem>> -> memref<125xi32, #tpu.memory_space<vmem>>
    %dma_wait3A_70 = arith.constant 0 : i32
    %dma_wait3A_71 = arith.constant 0 : i32
    %dma_wait3A_72 = tpu.memref_slice %arg2[%dma_wait3A_70, %dma_wait3A_71] : memref<10000x128xf32, #tpu.memory_space<hbm>> -> memref<10000x128xf32, #tpu.memory_space<hbm>>
    tpu.wait_indirect_dma semaphore(%arg16 : memref<!tpu.dma_semaphore, #tpu.memory_space<semaphore_mem>>) src(%dma_wait3A_72 : memref<10000x128xf32, #tpu.memory_space<hbm>>) dst(%arg11 : memref<125x128xf32, #tpu.memory_space<vmem>>)
    %dma_start3A_73 = arith.constant 38 : i32
    %dma_start3A_74 = arith.constant 0 : i32
    %dma_start3A_75 = tpu.memref_slice %arg10[%dma_start3A_73, %dma_start3A_74] : memref<40x125xi32, #tpu.memory_space<vmem>> -> memref<1x125xi32, #tpu.memory_space<vmem>>
    %dma_start3A_76 = tpu.memref_squeeze %dma_start3A_75 : memref<1x125xi32, #tpu.memory_space<vmem>> -> memref<125xi32, #tpu.memory_space<vmem>>
    %dma_start3A_77 = arith.constant 0 : i32
    %dma_start3A_78 = arith.constant 0 : i32
    %dma_start3A_79 = tpu.memref_slice %arg14[%dma_start3A_77, %dma_start3A_78] : memref<10240x128xf32, #tpu.memory_space<vmem_shared>> -> memref<10240x128xf32, #tpu.memory_space<vmem_shared>>
    tpu.enqueue_indirect_dma source(%arg11 : memref<125x128xf32, #tpu.memory_space<vmem>>) target(%dma_start3A_79 : memref<10240x128xf32, #tpu.memory_space<vmem_shared>>) offsets(%dma_start3A_76 : memref<125xi32, #tpu.memory_space<vmem>>) semaphore(%arg18 : memref<!tpu.dma_semaphore, #tpu.memory_space<semaphore_mem>>) {add = true}
    %dma_start3A_80 = arith.constant 38 : i32
    %dma_start3A_81 = arith.constant 0 : i32
    %dma_start3A_82 = tpu.memref_slice %arg10[%dma_start3A_80, %dma_start3A_81] : memref<40x125xi32, #tpu.memory_space<vmem>> -> memref<1x125xi32, #tpu.memory_space<vmem>>
    %dma_start3A_83 = tpu.memref_squeeze %dma_start3A_82 : memref<1x125xi32, #tpu.memory_space<vmem>> -> memref<125xi32, #tpu.memory_space<vmem>>
    %dma_start3A_84 = arith.constant 0 : i32
    %dma_start3A_85 = tpu.memref_slice %arg15[%dma_start3A_84] : memref<10240xf32, #tpu.memory_space<vmem_shared>> -> memref<10240xf32, #tpu.memory_space<vmem_shared>>
    tpu.enqueue_indirect_dma source(%arg13 : memref<125xf32, #tpu.memory_space<vmem>>) target(%dma_start3A_85 : memref<10240xf32, #tpu.memory_space<vmem_shared>>) offsets(%dma_start3A_83 : memref<125xi32, #tpu.memory_space<vmem>>) semaphore(%arg20 : memref<!tpu.dma_semaphore, #tpu.memory_space<semaphore_mem>>) {add = true}
    %dma_wait3A_86 = arith.constant 39 : i32
    %dma_wait3A_87 = arith.constant 0 : i32
    %dma_wait3A_88 = tpu.memref_slice %arg9[%dma_wait3A_86, %dma_wait3A_87] : memref<40x125xi32, #tpu.memory_space<vmem>> -> memref<1x125xi32, #tpu.memory_space<vmem>>
    %dma_wait3A_89 = tpu.memref_squeeze %dma_wait3A_88 : memref<1x125xi32, #tpu.memory_space<vmem>> -> memref<125xi32, #tpu.memory_space<vmem>>
    %dma_wait3A_90 = arith.constant 0 : i32
    %dma_wait3A_91 = arith.constant 0 : i32
    %dma_wait3A_92 = tpu.memref_slice %arg2[%dma_wait3A_90, %dma_wait3A_91] : memref<10000x128xf32, #tpu.memory_space<hbm>> -> memref<10000x128xf32, #tpu.memory_space<hbm>>
    tpu.wait_indirect_dma semaphore(%arg17 : memref<!tpu.dma_semaphore, #tpu.memory_space<semaphore_mem>>) src(%dma_wait3A_92 : memref<10000x128xf32, #tpu.memory_space<hbm>>) dst(%arg12 : memref<125x128xf32, #tpu.memory_space<vmem>>)
    %dma_wait3A_93 = arith.constant 38 : i32
    %dma_wait3A_94 = arith.constant 0 : i32
    %dma_wait3A_95 = tpu.memref_slice %arg10[%dma_wait3A_93, %dma_wait3A_94] : memref<40x125xi32, #tpu.memory_space<vmem>> -> memref<1x125xi32, #tpu.memory_space<vmem>>
    %dma_wait3A_96 = tpu.memref_squeeze %dma_wait3A_95 : memref<1x125xi32, #tpu.memory_space<vmem>> -> memref<125xi32, #tpu.memory_space<vmem>>
    %dma_wait3A_97 = arith.constant 0 : i32
    %dma_wait3A_98 = arith.constant 0 : i32
    %dma_wait3A_99 = tpu.memref_slice %arg14[%dma_wait3A_97, %dma_wait3A_98] : memref<10240x128xf32, #tpu.memory_space<vmem_shared>> -> memref<10240x128xf32, #tpu.memory_space<vmem_shared>>
    tpu.wait_indirect_dma semaphore(%arg18 : memref<!tpu.dma_semaphore, #tpu.memory_space<semaphore_mem>>) src(%arg11 : memref<125x128xf32, #tpu.memory_space<vmem>>) dst(%dma_wait3A_99 : memref<10240x128xf32, #tpu.memory_space<vmem_shared>>)
    %dma_wait3A_100 = arith.constant 38 : i32
    %dma_wait3A_101 = arith.constant 0 : i32
    %dma_wait3A_102 = tpu.memref_slice %arg10[%dma_wait3A_100, %dma_wait3A_101] : memref<40x125xi32, #tpu.memory_space<vmem>> -> memref<1x125xi32, #tpu.memory_space<vmem>>
    %dma_wait3A_103 = tpu.memref_squeeze %dma_wait3A_102 : memref<1x125xi32, #tpu.memory_space<vmem>> -> memref<125xi32, #tpu.memory_space<vmem>>
    %dma_wait3A_104 = arith.constant 0 : i32
    %dma_wait3A_105 = tpu.memref_slice %arg15[%dma_wait3A_104] : memref<10240xf32, #tpu.memory_space<vmem_shared>> -> memref<10240xf32, #tpu.memory_space<vmem_shared>>
    tpu.wait_indirect_dma semaphore(%arg20 : memref<!tpu.dma_semaphore, #tpu.memory_space<semaphore_mem>>) src(%arg13 : memref<125xf32, #tpu.memory_space<vmem>>) dst(%dma_wait3A_105 : memref<10240xf32, #tpu.memory_space<vmem_shared>>)
    %dma_start3A_106 = arith.constant 39 : i32
    %dma_start3A_107 = arith.constant 0 : i32
    %dma_start3A_108 = tpu.memref_slice %arg10[%dma_start3A_106, %dma_start3A_107] : memref<40x125xi32, #tpu.memory_space<vmem>> -> memref<1x125xi32, #tpu.memory_space<vmem>>
    %dma_start3A_109 = tpu.memref_squeeze %dma_start3A_108 : memref<1x125xi32, #tpu.memory_space<vmem>> -> memref<125xi32, #tpu.memory_space<vmem>>
    %dma_start3A_110 = arith.constant 0 : i32
    %dma_start3A_111 = arith.constant 0 : i32
    %dma_start3A_112 = tpu.memref_slice %arg14[%dma_start3A_110, %dma_start3A_111] : memref<10240x128xf32, #tpu.memory_space<vmem_shared>> -> memref<10240x128xf32, #tpu.memory_space<vmem_shared>>
    tpu.enqueue_indirect_dma source(%arg12 : memref<125x128xf32, #tpu.memory_space<vmem>>) target(%dma_start3A_112 : memref<10240x128xf32, #tpu.memory_space<vmem_shared>>) offsets(%dma_start3A_109 : memref<125xi32, #tpu.memory_space<vmem>>) semaphore(%arg19 : memref<!tpu.dma_semaphore, #tpu.memory_space<semaphore_mem>>) {add = true}
    %dma_start3A_113 = arith.constant 39 : i32
    %dma_start3A_114 = arith.constant 0 : i32
    %dma_start3A_115 = tpu.memref_slice %arg10[%dma_start3A_113, %dma_start3A_114] : memref<40x125xi32, #tpu.memory_space<vmem>> -> memref<1x125xi32, #tpu.memory_space<vmem>>
    %dma_start3A_116 = tpu.memref_squeeze %dma_start3A_115 : memref<1x125xi32, #tpu.memory_space<vmem>> -> memref<125xi32, #tpu.memory_space<vmem>>
    %dma_start3A_117 = arith.constant 0 : i32
    %dma_start3A_118 = tpu.memref_slice %arg15[%dma_start3A_117] : memref<10240xf32, #tpu.memory_space<vmem_shared>> -> memref<10240xf32, #tpu.memory_space<vmem_shared>>
    tpu.enqueue_indirect_dma source(%arg13 : memref<125xf32, #tpu.memory_space<vmem>>) target(%dma_start3A_118 : memref<10240xf32, #tpu.memory_space<vmem_shared>>) offsets(%dma_start3A_116 : memref<125xi32, #tpu.memory_space<vmem>>) semaphore(%arg21 : memref<!tpu.dma_semaphore, #tpu.memory_space<semaphore_mem>>) {add = true}
    %dma_wait3A_119 = arith.constant 39 : i32
    %dma_wait3A_120 = arith.constant 0 : i32
    %dma_wait3A_121 = tpu.memref_slice %arg10[%dma_wait3A_119, %dma_wait3A_120] : memref<40x125xi32, #tpu.memory_space<vmem>> -> memref<1x125xi32, #tpu.memory_space<vmem>>
    %dma_wait3A_122 = tpu.memref_squeeze %dma_wait3A_121 : memref<1x125xi32, #tpu.memory_space<vmem>> -> memref<125xi32, #tpu.memory_space<vmem>>
    %dma_wait3A_123 = arith.constant 0 : i32
    %dma_wait3A_124 = arith.constant 0 : i32
    %dma_wait3A_125 = tpu.memref_slice %arg14[%dma_wait3A_123, %dma_wait3A_124] : memref<10240x128xf32, #tpu.memory_space<vmem_shared>> -> memref<10240x128xf32, #tpu.memory_space<vmem_shared>>
    tpu.wait_indirect_dma semaphore(%arg19 : memref<!tpu.dma_semaphore, #tpu.memory_space<semaphore_mem>>) src(%arg12 : memref<125x128xf32, #tpu.memory_space<vmem>>) dst(%dma_wait3A_125 : memref<10240x128xf32, #tpu.memory_space<vmem_shared>>)
    %dma_wait3A_126 = arith.constant 39 : i32
    %dma_wait3A_127 = arith.constant 0 : i32
    %dma_wait3A_128 = tpu.memref_slice %arg10[%dma_wait3A_126, %dma_wait3A_127] : memref<40x125xi32, #tpu.memory_space<vmem>> -> memref<1x125xi32, #tpu.memory_space<vmem>>
    %dma_wait3A_129 = tpu.memref_squeeze %dma_wait3A_128 : memref<1x125xi32, #tpu.memory_space<vmem>> -> memref<125xi32, #tpu.memory_space<vmem>>
    %dma_wait3A_130 = arith.constant 0 : i32
    %dma_wait3A_131 = tpu.memref_slice %arg15[%dma_wait3A_130] : memref<10240xf32, #tpu.memory_space<vmem_shared>> -> memref<10240xf32, #tpu.memory_space<vmem_shared>>
    tpu.wait_indirect_dma semaphore(%arg21 : memref<!tpu.dma_semaphore, #tpu.memory_space<semaphore_mem>>) src(%arg13 : memref<125xf32, #tpu.memory_space<vmem>>) dst(%dma_wait3A_131 : memref<10240xf32, #tpu.memory_space<vmem_shared>>)
    %run_scoped3A_132 = arith.constant 1 : i32
    "tpu.region"() ({
      %run_scoped3A_220 = tpu.sem_alloc : memref<!tpu.dma_semaphore, #tpu.memory_space<semaphore_mem>>
      %dma_start3A_221 = arith.constant 0 : i32
      %dma_start3A_222 = arith.constant 0 : i32
      %dma_start3A_223 = tpu.memref_slice %arg3[%add3A, %run_scoped3A_132, %dma_start3A_221, %dma_start3A_222] : memref<32x2x40x125xi32, #tpu.memory_space<hbm>> -> memref<1x1x40x125xi32, #tpu.memory_space<hbm>>
      %dma_start3A_224 = tpu.memref_squeeze %dma_start3A_223 : memref<1x1x40x125xi32, #tpu.memory_space<hbm>> -> memref<40x125xi32, #tpu.memory_space<hbm>>
      %dma_start3A_225 = arith.constant 0 : i32
      %dma_start3A_226 = arith.constant 0 : i32
      %dma_start3A_227 = tpu.memref_slice %arg3[%add3A, %run_scoped3A_132, %dma_start3A_225, %dma_start3A_226] : memref<32x2x40x125xi32, #tpu.memory_space<hbm>> -> memref<1x1x40x125xi32, #tpu.memory_space<hbm>>
      %dma_start3A_228 = tpu.memref_squeeze %dma_start3A_227 : memref<1x1x40x125xi32, #tpu.memory_space<hbm>> -> memref<40x125xi32, #tpu.memory_space<hbm>>
      tpu.enqueue_dma source(%dma_start3A_228 : memref<40x125xi32, #tpu.memory_space<hbm>>) target(%arg9 : memref<40x125xi32, #tpu.memory_space<vmem>>) target_semaphore(%run_scoped3A_220 : memref<!tpu.dma_semaphore, #tpu.memory_space<semaphore_mem>>)
      %dma_wait3A_229 = arith.constant 0 : i32
      %dma_wait3A_230 = arith.constant 0 : i32
      %dma_wait3A_231 = tpu.memref_slice %arg3[%add3A, %run_scoped3A_132, %dma_wait3A_229, %dma_wait3A_230] : memref<32x2x40x125xi32, #tpu.memory_space<hbm>> -> memref<1x1x40x125xi32, #tpu.memory_space<hbm>>
      %dma_wait3A_232 = tpu.memref_squeeze %dma_wait3A_231 : memref<1x1x40x125xi32, #tpu.memory_space<hbm>> -> memref<40x125xi32, #tpu.memory_space<hbm>>
      %dma_wait3A_233 = arith.constant 0 : i32
      %dma_wait3A_234 = arith.constant 0 : i32
      %dma_wait3A_235 = tpu.memref_slice %arg3[%add3A, %run_scoped3A_132, %dma_wait3A_233, %dma_wait3A_234] : memref<32x2x40x125xi32, #tpu.memory_space<hbm>> -> memref<1x1x40x125xi32, #tpu.memory_space<hbm>>
      %dma_wait3A_236 = tpu.memref_squeeze %dma_wait3A_235 : memref<1x1x40x125xi32, #tpu.memory_space<hbm>> -> memref<40x125xi32, #tpu.memory_space<hbm>>
      tpu.wait_dma2 semaphore(%run_scoped3A_220 : memref<!tpu.dma_semaphore, #tpu.memory_space<semaphore_mem>>) src(%dma_wait3A_236 : memref<40x125xi32, #tpu.memory_space<hbm>>) dst(%arg9 : memref<40x125xi32, #tpu.memory_space<vmem>>)
      tpu.yield
    }) : () -> ()
    %run_scoped3A_133 = arith.constant 1 : i32
    "tpu.region"() ({
      %run_scoped3A_220 = tpu.sem_alloc : memref<!tpu.dma_semaphore, #tpu.memory_space<semaphore_mem>>
      %dma_start3A_221 = arith.constant 0 : i32
      %dma_start3A_222 = arith.constant 0 : i32
      %dma_start3A_223 = tpu.memref_slice %arg4[%add3A, %run_scoped3A_133, %dma_start3A_221, %dma_start3A_222] : memref<32x2x40x125xi32, #tpu.memory_space<hbm>> -> memref<1x1x40x125xi32, #tpu.memory_space<hbm>>
      %dma_start3A_224 = tpu.memref_squeeze %dma_start3A_223 : memref<1x1x40x125xi32, #tpu.memory_space<hbm>> -> memref<40x125xi32, #tpu.memory_space<hbm>>
      %dma_start3A_225 = arith.constant 0 : i32
      %dma_start3A_226 = arith.constant 0 : i32
      %dma_start3A_227 = tpu.memref_slice %arg4[%add3A, %run_scoped3A_133, %dma_start3A_225, %dma_start3A_226] : memref<32x2x40x125xi32, #tpu.memory_space<hbm>> -> memref<1x1x40x125xi32, #tpu.memory_space<hbm>>
      %dma_start3A_228 = tpu.memref_squeeze %dma_start3A_227 : memref<1x1x40x125xi32, #tpu.memory_space<hbm>> -> memref<40x125xi32, #tpu.memory_space<hbm>>
      tpu.enqueue_dma source(%dma_start3A_228 : memref<40x125xi32, #tpu.memory_space<hbm>>) target(%arg10 : memref<40x125xi32, #tpu.memory_space<vmem>>) target_semaphore(%run_scoped3A_220 : memref<!tpu.dma_semaphore, #tpu.memory_space<semaphore_mem>>)
      %dma_wait3A_229 = arith.constant 0 : i32
      %dma_wait3A_230 = arith.constant 0 : i32
      %dma_wait3A_231 = tpu.memref_slice %arg4[%add3A, %run_scoped3A_133, %dma_wait3A_229, %dma_wait3A_230] : memref<32x2x40x125xi32, #tpu.memory_space<hbm>> -> memref<1x1x40x125xi32, #tpu.memory_space<hbm>>
      %dma_wait3A_232 = tpu.memref_squeeze %dma_wait3A_231 : memref<1x1x40x125xi32, #tpu.memory_space<hbm>> -> memref<40x125xi32, #tpu.memory_space<hbm>>
      %dma_wait3A_233 = arith.constant 0 : i32
      %dma_wait3A_234 = arith.constant 0 : i32
      %dma_wait3A_235 = tpu.memref_slice %arg4[%add3A, %run_scoped3A_133, %dma_wait3A_233, %dma_wait3A_234] : memref<32x2x40x125xi32, #tpu.memory_space<hbm>> -> memref<1x1x40x125xi32, #tpu.memory_space<hbm>>
      %dma_wait3A_236 = tpu.memref_squeeze %dma_wait3A_235 : memref<1x1x40x125xi32, #tpu.memory_space<hbm>> -> memref<40x125xi32, #tpu.memory_space<hbm>>
      tpu.wait_dma2 semaphore(%run_scoped3A_220 : memref<!tpu.dma_semaphore, #tpu.memory_space<semaphore_mem>>) src(%dma_wait3A_236 : memref<40x125xi32, #tpu.memory_space<hbm>>) dst(%arg10 : memref<40x125xi32, #tpu.memory_space<vmem>>)
      tpu.yield
    }) : () -> ()
    %dma_start3A_134 = arith.constant 0 : i32
    %dma_start3A_135 = arith.constant 0 : i32
    %dma_start3A_136 = tpu.memref_slice %arg9[%dma_start3A_134, %dma_start3A_135] : memref<40x125xi32, #tpu.memory_space<vmem>> -> memref<1x125xi32, #tpu.memory_space<vmem>>
    %dma_start3A_137 = tpu.memref_squeeze %dma_start3A_136 : memref<1x125xi32, #tpu.memory_space<vmem>> -> memref<125xi32, #tpu.memory_space<vmem>>
    %dma_start3A_138 = arith.constant 0 : i32
    %dma_start3A_139 = arith.constant 0 : i32
    %dma_start3A_140 = tpu.memref_slice %arg2[%dma_start3A_138, %dma_start3A_139] : memref<10000x128xf32, #tpu.memory_space<hbm>> -> memref<10000x128xf32, #tpu.memory_space<hbm>>
    tpu.enqueue_indirect_dma source(%dma_start3A_140 : memref<10000x128xf32, #tpu.memory_space<hbm>>) target(%arg11 : memref<125x128xf32, #tpu.memory_space<vmem>>) offsets(%dma_start3A_137 : memref<125xi32, #tpu.memory_space<vmem>>) semaphore(%arg16 : memref<!tpu.dma_semaphore, #tpu.memory_space<semaphore_mem>>)
    %dma_start3A_141 = arith.constant 1 : i32
    %dma_start3A_142 = arith.constant 0 : i32
    %dma_start3A_143 = tpu.memref_slice %arg9[%dma_start3A_141, %dma_start3A_142] : memref<40x125xi32, #tpu.memory_space<vmem>> -> memref<1x125xi32, #tpu.memory_space<vmem>>
    %dma_start3A_144 = tpu.memref_squeeze %dma_start3A_143 : memref<1x125xi32, #tpu.memory_space<vmem>> -> memref<125xi32, #tpu.memory_space<vmem>>
    %dma_start3A_145 = arith.constant 0 : i32
    %dma_start3A_146 = arith.constant 0 : i32
    %dma_start3A_147 = tpu.memref_slice %arg2[%dma_start3A_145, %dma_start3A_146] : memref<10000x128xf32, #tpu.memory_space<hbm>> -> memref<10000x128xf32, #tpu.memory_space<hbm>>
    tpu.enqueue_indirect_dma source(%dma_start3A_147 : memref<10000x128xf32, #tpu.memory_space<hbm>>) target(%arg12 : memref<125x128xf32, #tpu.memory_space<vmem>>) offsets(%dma_start3A_144 : memref<125xi32, #tpu.memory_space<vmem>>) semaphore(%arg17 : memref<!tpu.dma_semaphore, #tpu.memory_space<semaphore_mem>>)
    %scan3A_148 = arith.constant 0 : i32
    %scan3A_149 = arith.constant 19 : i32
    %scan3A_150 = arith.addi %scan3A_148, %scan3A_149 : i32
    %scan3A_151 = arith.constant 1 : i32
    scf.for %scan3A_220 = %scan3A_148 to %scan3A_150 step %scan3A_151  : i32 {
      %mul3A_221 = arith.constant 1 : i32
      %mul3A_222 = arith.muli %scan3A_220, %mul3A_221 : i32
      %add3A_223 = arith.constant 0 : i32
      %add3A_224 = arith.addi %add3A_223, %mul3A_222 : i32
      %mul3A_225 = arith.constant 2 : i32
      %mul3A_226 = arith.muli %mul3A_225, %add3A_224 : i32
      %add3A_227 = arith.constant 1 : i32
      %add3A_228 = arith.addi %mul3A_226, %add3A_227 : i32
      %dma_wait3A_229 = arith.constant 0 : i32
      %dma_wait3A_230 = tpu.memref_slice %arg9[%mul3A_226, %dma_wait3A_229] : memref<40x125xi32, #tpu.memory_space<vmem>> -> memref<1x125xi32, #tpu.memory_space<vmem>>
      %dma_wait3A_231 = tpu.memref_squeeze %dma_wait3A_230 : memref<1x125xi32, #tpu.memory_space<vmem>> -> memref<125xi32, #tpu.memory_space<vmem>>
      %dma_wait3A_232 = arith.constant 0 : i32
      %dma_wait3A_233 = arith.constant 0 : i32
      %dma_wait3A_234 = tpu.memref_slice %arg2[%dma_wait3A_232, %dma_wait3A_233] : memref<10000x128xf32, #tpu.memory_space<hbm>> -> memref<10000x128xf32, #tpu.memory_space<hbm>>
      tpu.wait_indirect_dma semaphore(%arg16 : memref<!tpu.dma_semaphore, #tpu.memory_space<semaphore_mem>>) src(%dma_wait3A_234 : memref<10000x128xf32, #tpu.memory_space<hbm>>) dst(%arg11 : memref<125x128xf32, #tpu.memory_space<vmem>>)
      %dma_start3A_235 = arith.constant 0 : i32
      %dma_start3A_236 = tpu.memref_slice %arg10[%mul3A_226, %dma_start3A_235] : memref<40x125xi32, #tpu.memory_space<vmem>> -> memref<1x125xi32, #tpu.memory_space<vmem>>
      %dma_start3A_237 = tpu.memref_squeeze %dma_start3A_236 : memref<1x125xi32, #tpu.memory_space<vmem>> -> memref<125xi32, #tpu.memory_space<vmem>>
      %dma_start3A_238 = arith.constant 0 : i32
      %dma_start3A_239 = arith.constant 0 : i32
      %dma_start3A_240 = tpu.memref_slice %arg14[%dma_start3A_238, %dma_start3A_239] : memref<10240x128xf32, #tpu.memory_space<vmem_shared>> -> memref<10240x128xf32, #tpu.memory_space<vmem_shared>>
      tpu.enqueue_indirect_dma source(%arg11 : memref<125x128xf32, #tpu.memory_space<vmem>>) target(%dma_start3A_240 : memref<10240x128xf32, #tpu.memory_space<vmem_shared>>) offsets(%dma_start3A_237 : memref<125xi32, #tpu.memory_space<vmem>>) semaphore(%arg18 : memref<!tpu.dma_semaphore, #tpu.memory_space<semaphore_mem>>) {add = true}
      %dma_start3A_241 = arith.constant 0 : i32
      %dma_start3A_242 = tpu.memref_slice %arg10[%mul3A_226, %dma_start3A_241] : memref<40x125xi32, #tpu.memory_space<vmem>> -> memref<1x125xi32, #tpu.memory_space<vmem>>
      %dma_start3A_243 = tpu.memref_squeeze %dma_start3A_242 : memref<1x125xi32, #tpu.memory_space<vmem>> -> memref<125xi32, #tpu.memory_space<vmem>>
      %dma_start3A_244 = arith.constant 0 : i32
      %dma_start3A_245 = tpu.memref_slice %arg15[%dma_start3A_244] : memref<10240xf32, #tpu.memory_space<vmem_shared>> -> memref<10240xf32, #tpu.memory_space<vmem_shared>>
      tpu.enqueue_indirect_dma source(%arg13 : memref<125xf32, #tpu.memory_space<vmem>>) target(%dma_start3A_245 : memref<10240xf32, #tpu.memory_space<vmem_shared>>) offsets(%dma_start3A_243 : memref<125xi32, #tpu.memory_space<vmem>>) semaphore(%arg20 : memref<!tpu.dma_semaphore, #tpu.memory_space<semaphore_mem>>) {add = true}
      %dma_wait3A_246 = arith.constant 0 : i32
      %dma_wait3A_247 = tpu.memref_slice %arg9[%add3A_228, %dma_wait3A_246] : memref<40x125xi32, #tpu.memory_space<vmem>> -> memref<1x125xi32, #tpu.memory_space<vmem>>
      %dma_wait3A_248 = tpu.memref_squeeze %dma_wait3A_247 : memref<1x125xi32, #tpu.memory_space<vmem>> -> memref<125xi32, #tpu.memory_space<vmem>>
      %dma_wait3A_249 = arith.constant 0 : i32
      %dma_wait3A_250 = arith.constant 0 : i32
      %dma_wait3A_251 = tpu.memref_slice %arg2[%dma_wait3A_249, %dma_wait3A_250] : memref<10000x128xf32, #tpu.memory_space<hbm>> -> memref<10000x128xf32, #tpu.memory_space<hbm>>
      tpu.wait_indirect_dma semaphore(%arg17 : memref<!tpu.dma_semaphore, #tpu.memory_space<semaphore_mem>>) src(%dma_wait3A_251 : memref<10000x128xf32, #tpu.memory_space<hbm>>) dst(%arg12 : memref<125x128xf32, #tpu.memory_space<vmem>>)
      %dma_wait3A_252 = arith.constant 0 : i32
      %dma_wait3A_253 = tpu.memref_slice %arg10[%mul3A_226, %dma_wait3A_252] : memref<40x125xi32, #tpu.memory_space<vmem>> -> memref<1x125xi32, #tpu.memory_space<vmem>>
      %dma_wait3A_254 = tpu.memref_squeeze %dma_wait3A_253 : memref<1x125xi32, #tpu.memory_space<vmem>> -> memref<125xi32, #tpu.memory_space<vmem>>
      %dma_wait3A_255 = arith.constant 0 : i32
      %dma_wait3A_256 = arith.constant 0 : i32
      %dma_wait3A_257 = tpu.memref_slice %arg14[%dma_wait3A_255, %dma_wait3A_256] : memref<10240x128xf32, #tpu.memory_space<vmem_shared>> -> memref<10240x128xf32, #tpu.memory_space<vmem_shared>>
      tpu.wait_indirect_dma semaphore(%arg18 : memref<!tpu.dma_semaphore, #tpu.memory_space<semaphore_mem>>) src(%arg11 : memref<125x128xf32, #tpu.memory_space<vmem>>) dst(%dma_wait3A_257 : memref<10240x128xf32, #tpu.memory_space<vmem_shared>>)
      %dma_wait3A_258 = arith.constant 0 : i32
      %dma_wait3A_259 = tpu.memref_slice %arg10[%mul3A_226, %dma_wait3A_258] : memref<40x125xi32, #tpu.memory_space<vmem>> -> memref<1x125xi32, #tpu.memory_space<vmem>>
      %dma_wait3A_260 = tpu.memref_squeeze %dma_wait3A_259 : memref<1x125xi32, #tpu.memory_space<vmem>> -> memref<125xi32, #tpu.memory_space<vmem>>
      %dma_wait3A_261 = arith.constant 0 : i32
      %dma_wait3A_262 = tpu.memref_slice %arg15[%dma_wait3A_261] : memref<10240xf32, #tpu.memory_space<vmem_shared>> -> memref<10240xf32, #tpu.memory_space<vmem_shared>>
      tpu.wait_indirect_dma semaphore(%arg20 : memref<!tpu.dma_semaphore, #tpu.memory_space<semaphore_mem>>) src(%arg13 : memref<125xf32, #tpu.memory_space<vmem>>) dst(%dma_wait3A_262 : memref<10240xf32, #tpu.memory_space<vmem_shared>>)
      %add3A_263 = arith.constant 2 : i32
      %add3A_264 = arith.addi %mul3A_226, %add3A_263 : i32
      %dma_start3A_265 = arith.constant 0 : i32
      %dma_start3A_266 = tpu.memref_slice %arg9[%add3A_264, %dma_start3A_265] : memref<40x125xi32, #tpu.memory_space<vmem>> -> memref<1x125xi32, #tpu.memory_space<vmem>>
      %dma_start3A_267 = tpu.memref_squeeze %dma_start3A_266 : memref<1x125xi32, #tpu.memory_space<vmem>> -> memref<125xi32, #tpu.memory_space<vmem>>
      %dma_start3A_268 = arith.constant 0 : i32
      %dma_start3A_269 = arith.constant 0 : i32
      %dma_start3A_270 = tpu.memref_slice %arg2[%dma_start3A_268, %dma_start3A_269] : memref<10000x128xf32, #tpu.memory_space<hbm>> -> memref<10000x128xf32, #tpu.memory_space<hbm>>
      tpu.enqueue_indirect_dma source(%dma_start3A_270 : memref<10000x128xf32, #tpu.memory_space<hbm>>) target(%arg11 : memref<125x128xf32, #tpu.memory_space<vmem>>) offsets(%dma_start3A_267 : memref<125xi32, #tpu.memory_space<vmem>>) semaphore(%arg16 : memref<!tpu.dma_semaphore, #tpu.memory_space<semaphore_mem>>)
      %dma_start3A_271 = arith.constant 0 : i32
      %dma_start3A_272 = tpu.memref_slice %arg10[%add3A_228, %dma_start3A_271] : memref<40x125xi32, #tpu.memory_space<vmem>> -> memref<1x125xi32, #tpu.memory_space<vmem>>
      %dma_start3A_273 = tpu.memref_squeeze %dma_start3A_272 : memref<1x125xi32, #tpu.memory_space<vmem>> -> memref<125xi32, #tpu.memory_space<vmem>>
      %dma_start3A_274 = arith.constant 0 : i32
      %dma_start3A_275 = arith.constant 0 : i32
      %dma_start3A_276 = tpu.memref_slice %arg14[%dma_start3A_274, %dma_start3A_275] : memref<10240x128xf32, #tpu.memory_space<vmem_shared>> -> memref<10240x128xf32, #tpu.memory_space<vmem_shared>>
      tpu.enqueue_indirect_dma source(%arg12 : memref<125x128xf32, #tpu.memory_space<vmem>>) target(%dma_start3A_276 : memref<10240x128xf32, #tpu.memory_space<vmem_shared>>) offsets(%dma_start3A_273 : memref<125xi32, #tpu.memory_space<vmem>>) semaphore(%arg19 : memref<!tpu.dma_semaphore, #tpu.memory_space<semaphore_mem>>) {add = true}
      %dma_start3A_277 = arith.constant 0 : i32
      %dma_start3A_278 = tpu.memref_slice %arg10[%add3A_228, %dma_start3A_277] : memref<40x125xi32, #tpu.memory_space<vmem>> -> memref<1x125xi32, #tpu.memory_space<vmem>>
      %dma_start3A_279 = tpu.memref_squeeze %dma_start3A_278 : memref<1x125xi32, #tpu.memory_space<vmem>> -> memref<125xi32, #tpu.memory_space<vmem>>
      %dma_start3A_280 = arith.constant 0 : i32
      %dma_start3A_281 = tpu.memref_slice %arg15[%dma_start3A_280] : memref<10240xf32, #tpu.memory_space<vmem_shared>> -> memref<10240xf32, #tpu.memory_space<vmem_shared>>
      tpu.enqueue_indirect_dma source(%arg13 : memref<125xf32, #tpu.memory_space<vmem>>) target(%dma_start3A_281 : memref<10240xf32, #tpu.memory_space<vmem_shared>>) offsets(%dma_start3A_279 : memref<125xi32, #tpu.memory_space<vmem>>) semaphore(%arg21 : memref<!tpu.dma_semaphore, #tpu.memory_space<semaphore_mem>>) {add = true}
      %dma_wait3A_282 = arith.constant 0 : i32
      %dma_wait3A_283 = tpu.memref_slice %arg10[%add3A_228, %dma_wait3A_282] : memref<40x125xi32, #tpu.memory_space<vmem>> -> memref<1x125xi32, #tpu.memory_space<vmem>>
      %dma_wait3A_284 = tpu.memref_squeeze %dma_wait3A_283 : memref<1x125xi32, #tpu.memory_space<vmem>> -> memref<125xi32, #tpu.memory_space<vmem>>
      %dma_wait3A_285 = arith.constant 0 : i32
      %dma_wait3A_286 = arith.constant 0 : i32
      %dma_wait3A_287 = tpu.memref_slice %arg14[%dma_wait3A_285, %dma_wait3A_286] : memref<10240x128xf32, #tpu.memory_space<vmem_shared>> -> memref<10240x128xf32, #tpu.memory_space<vmem_shared>>
      tpu.wait_indirect_dma semaphore(%arg19 : memref<!tpu.dma_semaphore, #tpu.memory_space<semaphore_mem>>) src(%arg12 : memref<125x128xf32, #tpu.memory_space<vmem>>) dst(%dma_wait3A_287 : memref<10240x128xf32, #tpu.memory_space<vmem_shared>>)
      %dma_wait3A_288 = arith.constant 0 : i32
      %dma_wait3A_289 = tpu.memref_slice %arg10[%add3A_228, %dma_wait3A_288] : memref<40x125xi32, #tpu.memory_space<vmem>> -> memref<1x125xi32, #tpu.memory_space<vmem>>
      %dma_wait3A_290 = tpu.memref_squeeze %dma_wait3A_289 : memref<1x125xi32, #tpu.memory_space<vmem>> -> memref<125xi32, #tpu.memory_space<vmem>>
      %dma_wait3A_291 = arith.constant 0 : i32
      %dma_wait3A_292 = tpu.memref_slice %arg15[%dma_wait3A_291] : memref<10240xf32, #tpu.memory_space<vmem_shared>> -> memref<10240xf32, #tpu.memory_space<vmem_shared>>
      tpu.wait_indirect_dma semaphore(%arg21 : memref<!tpu.dma_semaphore, #tpu.memory_space<semaphore_mem>>) src(%arg13 : memref<125xf32, #tpu.memory_space<vmem>>) dst(%dma_wait3A_292 : memref<10240xf32, #tpu.memory_space<vmem_shared>>)
      %add3A_293 = arith.constant 2 : i32
      %add3A_294 = arith.addi %add3A_228, %add3A_293 : i32
      %dma_start3A_295 = arith.constant 0 : i32
      %dma_start3A_296 = tpu.memref_slice %arg9[%add3A_294, %dma_start3A_295] : memref<40x125xi32, #tpu.memory_space<vmem>> -> memref<1x125xi32, #tpu.memory_space<vmem>>
      %dma_start3A_297 = tpu.memref_squeeze %dma_start3A_296 : memref<1x125xi32, #tpu.memory_space<vmem>> -> memref<125xi32, #tpu.memory_space<vmem>>
      %dma_start3A_298 = arith.constant 0 : i32
      %dma_start3A_299 = arith.constant 0 : i32
      %dma_start3A_300 = tpu.memref_slice %arg2[%dma_start3A_298, %dma_start3A_299] : memref<10000x128xf32, #tpu.memory_space<hbm>> -> memref<10000x128xf32, #tpu.memory_space<hbm>>
      tpu.enqueue_indirect_dma source(%dma_start3A_300 : memref<10000x128xf32, #tpu.memory_space<hbm>>) target(%arg12 : memref<125x128xf32, #tpu.memory_space<vmem>>) offsets(%dma_start3A_297 : memref<125xi32, #tpu.memory_space<vmem>>) semaphore(%arg17 : memref<!tpu.dma_semaphore, #tpu.memory_space<semaphore_mem>>)
    }
    %scan3A_152 = arith.constant 19 : i32
    %dma_wait3A_153 = arith.constant 38 : i32
    %dma_wait3A_154 = arith.constant 0 : i32
    %dma_wait3A_155 = tpu.memref_slice %arg9[%dma_wait3A_153, %dma_wait3A_154] : memref<40x125xi32, #tpu.memory_space<vmem>> -> memref<1x125xi32, #tpu.memory_space<vmem>>
    %dma_wait3A_156 = tpu.memref_squeeze %dma_wait3A_155 : memref<1x125xi32, #tpu.memory_space<vmem>> -> memref<125xi32, #tpu.memory_space<vmem>>
    %dma_wait3A_157 = arith.constant 0 : i32
    %dma_wait3A_158 = arith.constant 0 : i32
    %dma_wait3A_159 = tpu.memref_slice %arg2[%dma_wait3A_157, %dma_wait3A_158] : memref<10000x128xf32, #tpu.memory_space<hbm>> -> memref<10000x128xf32, #tpu.memory_space<hbm>>
    tpu.wait_indirect_dma semaphore(%arg16 : memref<!tpu.dma_semaphore, #tpu.memory_space<semaphore_mem>>) src(%dma_wait3A_159 : memref<10000x128xf32, #tpu.memory_space<hbm>>) dst(%arg11 : memref<125x128xf32, #tpu.memory_space<vmem>>)
    %dma_start3A_160 = arith.constant 38 : i32
    %dma_start3A_161 = arith.constant 0 : i32
    %dma_start3A_162 = tpu.memref_slice %arg10[%dma_start3A_160, %dma_start3A_161] : memref<40x125xi32, #tpu.memory_space<vmem>> -> memref<1x125xi32, #tpu.memory_space<vmem>>
    %dma_start3A_163 = tpu.memref_squeeze %dma_start3A_162 : memref<1x125xi32, #tpu.memory_space<vmem>> -> memref<125xi32, #tpu.memory_space<vmem>>
    %dma_start3A_164 = arith.constant 0 : i32
    %dma_start3A_165 = arith.constant 0 : i32
    %dma_start3A_166 = tpu.memref_slice %arg14[%dma_start3A_164, %dma_start3A_165] : memref<10240x128xf32, #tpu.memory_space<vmem_shared>> -> memref<10240x128xf32, #tpu.memory_space<vmem_shared>>
    tpu.enqueue_indirect_dma source(%arg11 : memref<125x128xf32, #tpu.memory_space<vmem>>) target(%dma_start3A_166 : memref<10240x128xf32, #tpu.memory_space<vmem_shared>>) offsets(%dma_start3A_163 : memref<125xi32, #tpu.memory_space<vmem>>) semaphore(%arg18 : memref<!tpu.dma_semaphore, #tpu.memory_space<semaphore_mem>>) {add = true}
    %dma_start3A_167 = arith.constant 38 : i32
    %dma_start3A_168 = arith.constant 0 : i32
    %dma_start3A_169 = tpu.memref_slice %arg10[%dma_start3A_167, %dma_start3A_168] : memref<40x125xi32, #tpu.memory_space<vmem>> -> memref<1x125xi32, #tpu.memory_space<vmem>>
    %dma_start3A_170 = tpu.memref_squeeze %dma_start3A_169 : memref<1x125xi32, #tpu.memory_space<vmem>> -> memref<125xi32, #tpu.memory_space<vmem>>
    %dma_start3A_171 = arith.constant 0 : i32
    %dma_start3A_172 = tpu.memref_slice %arg15[%dma_start3A_171] : memref<10240xf32, #tpu.memory_space<vmem_shared>> -> memref<10240xf32, #tpu.memory_space<vmem_shared>>
    tpu.enqueue_indirect_dma source(%arg13 : memref<125xf32, #tpu.memory_space<vmem>>) target(%dma_start3A_172 : memref<10240xf32, #tpu.memory_space<vmem_shared>>) offsets(%dma_start3A_170 : memref<125xi32, #tpu.memory_space<vmem>>) semaphore(%arg20 : memref<!tpu.dma_semaphore, #tpu.memory_space<semaphore_mem>>) {add = true}
    %dma_wait3A_173 = arith.constant 39 : i32
    %dma_wait3A_174 = arith.constant 0 : i32
    %dma_wait3A_175 = tpu.memref_slice %arg9[%dma_wait3A_173, %dma_wait3A_174] : memref<40x125xi32, #tpu.memory_space<vmem>> -> memref<1x125xi32, #tpu.memory_space<vmem>>
    %dma_wait3A_176 = tpu.memref_squeeze %dma_wait3A_175 : memref<1x125xi32, #tpu.memory_space<vmem>> -> memref<125xi32, #tpu.memory_space<vmem>>
    %dma_wait3A_177 = arith.constant 0 : i32
    %dma_wait3A_178 = arith.constant 0 : i32
    %dma_wait3A_179 = tpu.memref_slice %arg2[%dma_wait3A_177, %dma_wait3A_178] : memref<10000x128xf32, #tpu.memory_space<hbm>> -> memref<10000x128xf32, #tpu.memory_space<hbm>>
    tpu.wait_indirect_dma semaphore(%arg17 : memref<!tpu.dma_semaphore, #tpu.memory_space<semaphore_mem>>) src(%dma_wait3A_179 : memref<10000x128xf32, #tpu.memory_space<hbm>>) dst(%arg12 : memref<125x128xf32, #tpu.memory_space<vmem>>)
    %dma_wait3A_180 = arith.constant 38 : i32
    %dma_wait3A_181 = arith.constant 0 : i32
    %dma_wait3A_182 = tpu.memref_slice %arg10[%dma_wait3A_180, %dma_wait3A_181] : memref<40x125xi32, #tpu.memory_space<vmem>> -> memref<1x125xi32, #tpu.memory_space<vmem>>
    %dma_wait3A_183 = tpu.memref_squeeze %dma_wait3A_182 : memref<1x125xi32, #tpu.memory_space<vmem>> -> memref<125xi32, #tpu.memory_space<vmem>>
    %dma_wait3A_184 = arith.constant 0 : i32
    %dma_wait3A_185 = arith.constant 0 : i32
    %dma_wait3A_186 = tpu.memref_slice %arg14[%dma_wait3A_184, %dma_wait3A_185] : memref<10240x128xf32, #tpu.memory_space<vmem_shared>> -> memref<10240x128xf32, #tpu.memory_space<vmem_shared>>
    tpu.wait_indirect_dma semaphore(%arg18 : memref<!tpu.dma_semaphore, #tpu.memory_space<semaphore_mem>>) src(%arg11 : memref<125x128xf32, #tpu.memory_space<vmem>>) dst(%dma_wait3A_186 : memref<10240x128xf32, #tpu.memory_space<vmem_shared>>)
    %dma_wait3A_187 = arith.constant 38 : i32
    %dma_wait3A_188 = arith.constant 0 : i32
    %dma_wait3A_189 = tpu.memref_slice %arg10[%dma_wait3A_187, %dma_wait3A_188] : memref<40x125xi32, #tpu.memory_space<vmem>> -> memref<1x125xi32, #tpu.memory_space<vmem>>
    %dma_wait3A_190 = tpu.memref_squeeze %dma_wait3A_189 : memref<1x125xi32, #tpu.memory_space<vmem>> -> memref<125xi32, #tpu.memory_space<vmem>>
    %dma_wait3A_191 = arith.constant 0 : i32
    %dma_wait3A_192 = tpu.memref_slice %arg15[%dma_wait3A_191] : memref<10240xf32, #tpu.memory_space<vmem_shared>> -> memref<10240xf32, #tpu.memory_space<vmem_shared>>
    tpu.wait_indirect_dma semaphore(%arg20 : memref<!tpu.dma_semaphore, #tpu.memory_space<semaphore_mem>>) src(%arg13 : memref<125xf32, #tpu.memory_space<vmem>>) dst(%dma_wait3A_192 : memref<10240xf32, #tpu.memory_space<vmem_shared>>)
    %dma_start3A_193 = arith.constant 39 : i32
    %dma_start3A_194 = arith.constant 0 : i32
    %dma_start3A_195 = tpu.memref_slice %arg10[%dma_start3A_193, %dma_start3A_194] : memref<40x125xi32, #tpu.memory_space<vmem>> -> memref<1x125xi32, #tpu.memory_space<vmem>>
    %dma_start3A_196 = tpu.memref_squeeze %dma_start3A_195 : memref<1x125xi32, #tpu.memory_space<vmem>> -> memref<125xi32, #tpu.memory_space<vmem>>
    %dma_start3A_197 = arith.constant 0 : i32
    %dma_start3A_198 = arith.constant 0 : i32
    %dma_start3A_199 = tpu.memref_slice %arg14[%dma_start3A_197, %dma_start3A_198] : memref<10240x128xf32, #tpu.memory_space<vmem_shared>> -> memref<10240x128xf32, #tpu.memory_space<vmem_shared>>
    tpu.enqueue_indirect_dma source(%arg12 : memref<125x128xf32, #tpu.memory_space<vmem>>) target(%dma_start3A_199 : memref<10240x128xf32, #tpu.memory_space<vmem_shared>>) offsets(%dma_start3A_196 : memref<125xi32, #tpu.memory_space<vmem>>) semaphore(%arg19 : memref<!tpu.dma_semaphore, #tpu.memory_space<semaphore_mem>>) {add = true}
    %dma_start3A_200 = arith.constant 39 : i32
    %dma_start3A_201 = arith.constant 0 : i32
    %dma_start3A_202 = tpu.memref_slice %arg10[%dma_start3A_200, %dma_start3A_201] : memref<40x125xi32, #tpu.memory_space<vmem>> -> memref<1x125xi32, #tpu.memory_space<vmem>>
    %dma_start3A_203 = tpu.memref_squeeze %dma_start3A_202 : memref<1x125xi32, #tpu.memory_space<vmem>> -> memref<125xi32, #tpu.memory_space<vmem>>
    %dma_start3A_204 = arith.constant 0 : i32
    %dma_start3A_205 = tpu.memref_slice %arg15[%dma_start3A_204] : memref<10240xf32, #tpu.memory_space<vmem_shared>> -> memref<10240xf32, #tpu.memory_space<vmem_shared>>
    tpu.enqueue_indirect_dma source(%arg13 : memref<125xf32, #tpu.memory_space<vmem>>) target(%dma_start3A_205 : memref<10240xf32, #tpu.memory_space<vmem_shared>>) offsets(%dma_start3A_203 : memref<125xi32, #tpu.memory_space<vmem>>) semaphore(%arg21 : memref<!tpu.dma_semaphore, #tpu.memory_space<semaphore_mem>>) {add = true}
    %dma_wait3A_206 = arith.constant 39 : i32
    %dma_wait3A_207 = arith.constant 0 : i32
    %dma_wait3A_208 = tpu.memref_slice %arg10[%dma_wait3A_206, %dma_wait3A_207] : memref<40x125xi32, #tpu.memory_space<vmem>> -> memref<1x125xi32, #tpu.memory_space<vmem>>
    %dma_wait3A_209 = tpu.memref_squeeze %dma_wait3A_208 : memref<1x125xi32, #tpu.memory_space<vmem>> -> memref<125xi32, #tpu.memory_space<vmem>>
    %dma_wait3A_210 = arith.constant 0 : i32
    %dma_wait3A_211 = arith.constant 0 : i32
    %dma_wait3A_212 = tpu.memref_slice %arg14[%dma_wait3A_210, %dma_wait3A_211] : memref<10240x128xf32, #tpu.memory_space<vmem_shared>> -> memref<10240x128xf32, #tpu.memory_space<vmem_shared>>
    tpu.wait_indirect_dma semaphore(%arg19 : memref<!tpu.dma_semaphore, #tpu.memory_space<semaphore_mem>>) src(%arg12 : memref<125x128xf32, #tpu.memory_space<vmem>>) dst(%dma_wait3A_212 : memref<10240x128xf32, #tpu.memory_space<vmem_shared>>)
    %dma_wait3A_213 = arith.constant 39 : i32
    %dma_wait3A_214 = arith.constant 0 : i32
    %dma_wait3A_215 = tpu.memref_slice %arg10[%dma_wait3A_213, %dma_wait3A_214] : memref<40x125xi32, #tpu.memory_space<vmem>> -> memref<1x125xi32, #tpu.memory_space<vmem>>
    %dma_wait3A_216 = tpu.memref_squeeze %dma_wait3A_215 : memref<1x125xi32, #tpu.memory_space<vmem>> -> memref<125xi32, #tpu.memory_space<vmem>>
    %dma_wait3A_217 = arith.constant 0 : i32
    %dma_wait3A_218 = tpu.memref_slice %arg15[%dma_wait3A_217] : memref<10240xf32, #tpu.memory_space<vmem_shared>> -> memref<10240xf32, #tpu.memory_space<vmem_shared>>
    tpu.wait_indirect_dma semaphore(%arg21 : memref<!tpu.dma_semaphore, #tpu.memory_space<semaphore_mem>>) src(%arg13 : memref<125xf32, #tpu.memory_space<vmem>>) dst(%dma_wait3A_218 : memref<10240xf32, #tpu.memory_space<vmem_shared>>)
    %barrier3A_219 = arith.constant 0 : index
    tpu.barrier barrier_id(%barrier3A_219)
    "tpu.region"() ({
      %run_scoped3A_220 = tpu.sem_alloc : memref<!tpu.dma_semaphore, #tpu.memory_space<semaphore_mem>>
      %dma_start3A_221 = arith.constant 0 : i32
      %dma_start3A_222 = tpu.memref_slice %arg7[%arg0, %mul3A_2, %dma_start3A_221] : memref<2x10240x128xf32, #tpu.memory_space<hbm>> -> memref<1x640x128xf32, #tpu.memory_space<hbm>>
      %dma_start3A_223 = tpu.memref_squeeze %dma_start3A_222 : memref<1x640x128xf32, #tpu.memory_space<hbm>> -> memref<640x128xf32, #tpu.memory_space<hbm>>
      %dma_start3A_224 = arith.constant 0 : i32
      %dma_start3A_225 = tpu.memref_slice %arg14[%mul3A_2, %dma_start3A_224] : memref<10240x128xf32, #tpu.memory_space<vmem_shared>> -> memref<640x128xf32, #tpu.memory_space<vmem_shared>>
      tpu.enqueue_dma source(%dma_start3A_225 : memref<640x128xf32, #tpu.memory_space<vmem_shared>>) target(%dma_start3A_223 : memref<640x128xf32, #tpu.memory_space<hbm>>) target_semaphore(%run_scoped3A_220 : memref<!tpu.dma_semaphore, #tpu.memory_space<semaphore_mem>>)
      %dma_wait3A_226 = arith.constant 0 : i32
      %dma_wait3A_227 = tpu.memref_slice %arg7[%arg0, %mul3A_2, %dma_wait3A_226] : memref<2x10240x128xf32, #tpu.memory_space<hbm>> -> memref<1x640x128xf32, #tpu.memory_space<hbm>>
      %dma_wait3A_228 = tpu.memref_squeeze %dma_wait3A_227 : memref<1x640x128xf32, #tpu.memory_space<hbm>> -> memref<640x128xf32, #tpu.memory_space<hbm>>
      %dma_wait3A_229 = arith.constant 0 : i32
      %dma_wait3A_230 = tpu.memref_slice %arg14[%mul3A_2, %dma_wait3A_229] : memref<10240x128xf32, #tpu.memory_space<vmem_shared>> -> memref<640x128xf32, #tpu.memory_space<vmem_shared>>
      tpu.wait_dma2 semaphore(%run_scoped3A_220 : memref<!tpu.dma_semaphore, #tpu.memory_space<semaphore_mem>>) src(%dma_wait3A_230 : memref<640x128xf32, #tpu.memory_space<vmem_shared>>) dst(%dma_wait3A_228 : memref<640x128xf32, #tpu.memory_space<hbm>>)
      tpu.yield
    }) : () -> ()
    "tpu.region"() ({
      %run_scoped3A_220 = tpu.sem_alloc : memref<!tpu.dma_semaphore, #tpu.memory_space<semaphore_mem>>
      %dma_start3A_221 = tpu.memref_slice %arg8[%arg0, %mul3A_2] : memref<2x10240xf32, #tpu.memory_space<hbm>> -> memref<1x640xf32, #tpu.memory_space<hbm>>
      %dma_start3A_222 = tpu.memref_squeeze %dma_start3A_221 : memref<1x640xf32, #tpu.memory_space<hbm>> -> memref<640xf32, #tpu.memory_space<hbm>>
      %dma_start3A_223 = tpu.memref_slice %arg15[%mul3A_2] : memref<10240xf32, #tpu.memory_space<vmem_shared>> -> memref<640xf32, #tpu.memory_space<vmem_shared>>
      tpu.enqueue_dma source(%dma_start3A_223 : memref<640xf32, #tpu.memory_space<vmem_shared>>) target(%dma_start3A_222 : memref<640xf32, #tpu.memory_space<hbm>>) target_semaphore(%run_scoped3A_220 : memref<!tpu.dma_semaphore, #tpu.memory_space<semaphore_mem>>)
      %dma_wait3A_224 = tpu.memref_slice %arg8[%arg0, %mul3A_2] : memref<2x10240xf32, #tpu.memory_space<hbm>> -> memref<1x640xf32, #tpu.memory_space<hbm>>
      %dma_wait3A_225 = tpu.memref_squeeze %dma_wait3A_224 : memref<1x640xf32, #tpu.memory_space<hbm>> -> memref<640xf32, #tpu.memory_space<hbm>>
      %dma_wait3A_226 = tpu.memref_slice %arg15[%mul3A_2] : memref<10240xf32, #tpu.memory_space<vmem_shared>> -> memref<640xf32, #tpu.memory_space<vmem_shared>>
      tpu.wait_dma2 semaphore(%run_scoped3A_220 : memref<!tpu.dma_semaphore, #tpu.memory_space<semaphore_mem>>) src(%dma_wait3A_226 : memref<640xf32, #tpu.memory_space<vmem_shared>>) dst(%dma_wait3A_225 : memref<640xf32, #tpu.memory_space<hbm>>)
      tpu.yield
    }) : () -> ()
    return
  }
}

#map = affine_map<(d0, d1) -> (0, 0)>
#map1 = affine_map<(d0, d1) -> (0, 0, 0, 0)>
#map2 = affine_map<(d0, d1) -> (0)>
#map3 = affine_map<(d0, d1) -> (0, 0, 0)>
module attributes {stable_mosaic.version = 14 : i64} {
  func.func @sc_sage_agg(%arg0: i32, %arg1: i32, %arg2: memref<10000x128xf32, #tpu.memory_space<hbm>>, %arg3: memref<32x2x40x125xi32, #tpu.memory_space<hbm>>, %arg4: memref<32x2x40x125xi32, #tpu.memory_space<hbm>>, %arg5: memref<10240x128xf32, #tpu.memory_space<hbm>>, %arg6: memref<10240xf32, #tpu.memory_space<hbm>>, %arg7: memref<2x10240x128xf32, #tpu.memory_space<hbm>>, %arg8: memref<2x10240xf32, #tpu.memory_space<hbm>>, %arg9: memref<40x125xi32, #tpu.memory_space<vmem>>, %arg10: memref<40x125xi32, #tpu.memory_space<vmem>>, %arg11: memref<125x128xf32, #tpu.memory_space<vmem>>, %arg12: memref<125x128xf32, #tpu.memory_space<vmem>>, %arg13: memref<125xf32, #tpu.memory_space<vmem>>, %arg14: memref<10240x128xf32, #tpu.memory_space<vmem_shared>>, %arg15: memref<10240xf32, #tpu.memory_space<vmem_shared>>, %arg16: memref<!tpu.dma_semaphore, #tpu.memory_space<semaphore_mem>>, %arg17: memref<!tpu.dma_semaphore, #tpu.memory_space<semaphore_mem>>, %arg18: memref<!tpu.dma_semaphore, #tpu.memory_space<semaphore_mem>>, %arg19: memref<!tpu.dma_semaphore, #tpu.memory_space<semaphore_mem>>, %arg20: memref<!tpu.dma_semaphore, #tpu.memory_space<semaphore_mem>>, %arg21: memref<!tpu.dma_semaphore, #tpu.memory_space<semaphore_mem>>) attributes {dimension_semantics = [#tpu.dimension_semantics<core_parallel>, #tpu.dimension_semantics<subcore_parallel>], iteration_bounds = array<i64: 2, 16>, scalar_prefetch = 0 : i64, scratch_operands = 13 : i64, tpu.core_type = #tpu.core_type<sc_vector_subcore>, window_params = [{transform_indices = #map}, {transform_indices = #map1}, {transform_indices = #map1}, {transform_indices = #map}, {transform_indices = #map2}, {transform_indices = #map3}, {transform_indices = #map}]} {
    %mul3A = arith.constant 16 : i32
    %mul3A_0 = arith.muli %arg0, %mul3A : i32
    %add3A = arith.addi %mul3A_0, %arg1 : i32
    %mul3A_1 = arith.constant 640 : i32
    %mul3A_2 = arith.muli %arg1, %mul3A_1 : i32
    %run_scoped3A = arith.constant 0 : i32
    "tpu.region"() ({
      %run_scoped3A_126 = tpu.sem_alloc : memref<!tpu.dma_semaphore, #tpu.memory_space<semaphore_mem>>
      %dma_start3A_127 = arith.constant 0 : i32
      %dma_start3A_128 = arith.constant 0 : i32
      %dma_start3A_129 = tpu.memref_slice %arg3[%add3A, %run_scoped3A, %dma_start3A_127, %dma_start3A_128] : memref<32x2x40x125xi32, #tpu.memory_space<hbm>> -> memref<1x1x40x125xi32, #tpu.memory_space<hbm>>
      %dma_start3A_130 = tpu.memref_squeeze %dma_start3A_129 : memref<1x1x40x125xi32, #tpu.memory_space<hbm>> -> memref<40x125xi32, #tpu.memory_space<hbm>>
      %dma_start3A_131 = arith.constant 0 : i32
      %dma_start3A_132 = arith.constant 0 : i32
      %dma_start3A_133 = tpu.memref_slice %arg3[%add3A, %run_scoped3A, %dma_start3A_131, %dma_start3A_132] : memref<32x2x40x125xi32, #tpu.memory_space<hbm>> -> memref<1x1x40x125xi32, #tpu.memory_space<hbm>>
      %dma_start3A_134 = tpu.memref_squeeze %dma_start3A_133 : memref<1x1x40x125xi32, #tpu.memory_space<hbm>> -> memref<40x125xi32, #tpu.memory_space<hbm>>
      tpu.enqueue_dma source(%dma_start3A_134 : memref<40x125xi32, #tpu.memory_space<hbm>>) target(%arg9 : memref<40x125xi32, #tpu.memory_space<vmem>>) target_semaphore(%run_scoped3A_126 : memref<!tpu.dma_semaphore, #tpu.memory_space<semaphore_mem>>)
      %dma_wait3A_135 = arith.constant 0 : i32
      %dma_wait3A_136 = arith.constant 0 : i32
      %dma_wait3A_137 = tpu.memref_slice %arg3[%add3A, %run_scoped3A, %dma_wait3A_135, %dma_wait3A_136] : memref<32x2x40x125xi32, #tpu.memory_space<hbm>> -> memref<1x1x40x125xi32, #tpu.memory_space<hbm>>
      %dma_wait3A_138 = tpu.memref_squeeze %dma_wait3A_137 : memref<1x1x40x125xi32, #tpu.memory_space<hbm>> -> memref<40x125xi32, #tpu.memory_space<hbm>>
      %dma_wait3A_139 = arith.constant 0 : i32
      %dma_wait3A_140 = arith.constant 0 : i32
      %dma_wait3A_141 = tpu.memref_slice %arg3[%add3A, %run_scoped3A, %dma_wait3A_139, %dma_wait3A_140] : memref<32x2x40x125xi32, #tpu.memory_space<hbm>> -> memref<1x1x40x125xi32, #tpu.memory_space<hbm>>
      %dma_wait3A_142 = tpu.memref_squeeze %dma_wait3A_141 : memref<1x1x40x125xi32, #tpu.memory_space<hbm>> -> memref<40x125xi32, #tpu.memory_space<hbm>>
      tpu.wait_dma2 semaphore(%run_scoped3A_126 : memref<!tpu.dma_semaphore, #tpu.memory_space<semaphore_mem>>) src(%dma_wait3A_142 : memref<40x125xi32, #tpu.memory_space<hbm>>) dst(%arg9 : memref<40x125xi32, #tpu.memory_space<vmem>>)
      tpu.yield
    }) : () -> ()
    %run_scoped3A_3 = arith.constant 0 : i32
    "tpu.region"() ({
      %run_scoped3A_126 = tpu.sem_alloc : memref<!tpu.dma_semaphore, #tpu.memory_space<semaphore_mem>>
      %dma_start3A_127 = arith.constant 0 : i32
      %dma_start3A_128 = arith.constant 0 : i32
      %dma_start3A_129 = tpu.memref_slice %arg4[%add3A, %run_scoped3A_3, %dma_start3A_127, %dma_start3A_128] : memref<32x2x40x125xi32, #tpu.memory_space<hbm>> -> memref<1x1x40x125xi32, #tpu.memory_space<hbm>>
      %dma_start3A_130 = tpu.memref_squeeze %dma_start3A_129 : memref<1x1x40x125xi32, #tpu.memory_space<hbm>> -> memref<40x125xi32, #tpu.memory_space<hbm>>
      %dma_start3A_131 = arith.constant 0 : i32
      %dma_start3A_132 = arith.constant 0 : i32
      %dma_start3A_133 = tpu.memref_slice %arg4[%add3A, %run_scoped3A_3, %dma_start3A_131, %dma_start3A_132] : memref<32x2x40x125xi32, #tpu.memory_space<hbm>> -> memref<1x1x40x125xi32, #tpu.memory_space<hbm>>
      %dma_start3A_134 = tpu.memref_squeeze %dma_start3A_133 : memref<1x1x40x125xi32, #tpu.memory_space<hbm>> -> memref<40x125xi32, #tpu.memory_space<hbm>>
      tpu.enqueue_dma source(%dma_start3A_134 : memref<40x125xi32, #tpu.memory_space<hbm>>) target(%arg10 : memref<40x125xi32, #tpu.memory_space<vmem>>) target_semaphore(%run_scoped3A_126 : memref<!tpu.dma_semaphore, #tpu.memory_space<semaphore_mem>>)
      %dma_wait3A_135 = arith.constant 0 : i32
      %dma_wait3A_136 = arith.constant 0 : i32
      %dma_wait3A_137 = tpu.memref_slice %arg4[%add3A, %run_scoped3A_3, %dma_wait3A_135, %dma_wait3A_136] : memref<32x2x40x125xi32, #tpu.memory_space<hbm>> -> memref<1x1x40x125xi32, #tpu.memory_space<hbm>>
      %dma_wait3A_138 = tpu.memref_squeeze %dma_wait3A_137 : memref<1x1x40x125xi32, #tpu.memory_space<hbm>> -> memref<40x125xi32, #tpu.memory_space<hbm>>
      %dma_wait3A_139 = arith.constant 0 : i32
      %dma_wait3A_140 = arith.constant 0 : i32
      %dma_wait3A_141 = tpu.memref_slice %arg4[%add3A, %run_scoped3A_3, %dma_wait3A_139, %dma_wait3A_140] : memref<32x2x40x125xi32, #tpu.memory_space<hbm>> -> memref<1x1x40x125xi32, #tpu.memory_space<hbm>>
      %dma_wait3A_142 = tpu.memref_squeeze %dma_wait3A_141 : memref<1x1x40x125xi32, #tpu.memory_space<hbm>> -> memref<40x125xi32, #tpu.memory_space<hbm>>
      tpu.wait_dma2 semaphore(%run_scoped3A_126 : memref<!tpu.dma_semaphore, #tpu.memory_space<semaphore_mem>>) src(%dma_wait3A_142 : memref<40x125xi32, #tpu.memory_space<hbm>>) dst(%arg10 : memref<40x125xi32, #tpu.memory_space<vmem>>)
      tpu.yield
    }) : () -> ()
    %dma_start3A = arith.constant 0 : i32
    %dma_start3A_4 = arith.constant 0 : i32
    %dma_start3A_5 = tpu.memref_slice %arg9[%dma_start3A, %dma_start3A_4] : memref<40x125xi32, #tpu.memory_space<vmem>> -> memref<1x125xi32, #tpu.memory_space<vmem>>
    %dma_start3A_6 = tpu.memref_squeeze %dma_start3A_5 : memref<1x125xi32, #tpu.memory_space<vmem>> -> memref<125xi32, #tpu.memory_space<vmem>>
    %dma_start3A_7 = arith.constant 0 : i32
    %dma_start3A_8 = arith.constant 0 : i32
    %dma_start3A_9 = tpu.memref_slice %arg2[%dma_start3A_7, %dma_start3A_8] : memref<10000x128xf32, #tpu.memory_space<hbm>> -> memref<10000x128xf32, #tpu.memory_space<hbm>>
    tpu.enqueue_indirect_dma source(%dma_start3A_9 : memref<10000x128xf32, #tpu.memory_space<hbm>>) target(%arg11 : memref<125x128xf32, #tpu.memory_space<vmem>>) offsets(%dma_start3A_6 : memref<125xi32, #tpu.memory_space<vmem>>) semaphore(%arg16 : memref<!tpu.dma_semaphore, #tpu.memory_space<semaphore_mem>>)
    %dma_start3A_10 = arith.constant 1 : i32
    %dma_start3A_11 = arith.constant 0 : i32
    %dma_start3A_12 = tpu.memref_slice %arg9[%dma_start3A_10, %dma_start3A_11] : memref<40x125xi32, #tpu.memory_space<vmem>> -> memref<1x125xi32, #tpu.memory_space<vmem>>
    %dma_start3A_13 = tpu.memref_squeeze %dma_start3A_12 : memref<1x125xi32, #tpu.memory_space<vmem>> -> memref<125xi32, #tpu.memory_space<vmem>>
    %dma_start3A_14 = arith.constant 0 : i32
    %dma_start3A_15 = arith.constant 0 : i32
    %dma_start3A_16 = tpu.memref_slice %arg2[%dma_start3A_14, %dma_start3A_15] : memref<10000x128xf32, #tpu.memory_space<hbm>> -> memref<10000x128xf32, #tpu.memory_space<hbm>>
    tpu.enqueue_indirect_dma source(%dma_start3A_16 : memref<10000x128xf32, #tpu.memory_space<hbm>>) target(%arg12 : memref<125x128xf32, #tpu.memory_space<vmem>>) offsets(%dma_start3A_13 : memref<125xi32, #tpu.memory_space<vmem>>) semaphore(%arg17 : memref<!tpu.dma_semaphore, #tpu.memory_space<semaphore_mem>>)
    "tpu.region"() ({
      %run_scoped3A_126 = tpu.sem_alloc : memref<!tpu.dma_semaphore, #tpu.memory_space<semaphore_mem>>
      %dma_start3A_127 = arith.constant 0 : i32
      %dma_start3A_128 = tpu.memref_slice %arg14[%mul3A_2, %dma_start3A_127] : memref<10240x128xf32, #tpu.memory_space<vmem_shared>> -> memref<640x128xf32, #tpu.memory_space<vmem_shared>>
      %dma_start3A_129 = arith.constant 0 : i32
      %dma_start3A_130 = tpu.memref_slice %arg5[%mul3A_2, %dma_start3A_129] : memref<10240x128xf32, #tpu.memory_space<hbm>> -> memref<640x128xf32, #tpu.memory_space<hbm>>
      tpu.enqueue_dma source(%dma_start3A_130 : memref<640x128xf32, #tpu.memory_space<hbm>>) target(%dma_start3A_128 : memref<640x128xf32, #tpu.memory_space<vmem_shared>>) target_semaphore(%run_scoped3A_126 : memref<!tpu.dma_semaphore, #tpu.memory_space<semaphore_mem>>)
      %dma_wait3A_131 = arith.constant 0 : i32
      %dma_wait3A_132 = tpu.memref_slice %arg14[%mul3A_2, %dma_wait3A_131] : memref<10240x128xf32, #tpu.memory_space<vmem_shared>> -> memref<640x128xf32, #tpu.memory_space<vmem_shared>>
      %dma_wait3A_133 = arith.constant 0 : i32
      %dma_wait3A_134 = tpu.memref_slice %arg5[%mul3A_2, %dma_wait3A_133] : memref<10240x128xf32, #tpu.memory_space<hbm>> -> memref<640x128xf32, #tpu.memory_space<hbm>>
      tpu.wait_dma2 semaphore(%run_scoped3A_126 : memref<!tpu.dma_semaphore, #tpu.memory_space<semaphore_mem>>) src(%dma_wait3A_134 : memref<640x128xf32, #tpu.memory_space<hbm>>) dst(%dma_wait3A_132 : memref<640x128xf32, #tpu.memory_space<vmem_shared>>)
      tpu.yield
    }) : () -> ()
    %barrier3A = arith.constant 0 : index
    tpu.barrier barrier_id(%barrier3A)
    %scan3A = arith.constant 0 : i32
    %scan3A_17 = arith.constant 19 : i32
    %scan3A_18 = arith.addi %scan3A, %scan3A_17 : i32
    %scan3A_19 = arith.constant 1 : i32
    scf.for %scan3A_126 = %scan3A to %scan3A_18 step %scan3A_19  : i32 {
      %mul3A_127 = arith.constant 1 : i32
      %mul3A_128 = arith.muli %scan3A_126, %mul3A_127 : i32
      %add3A_129 = arith.constant 0 : i32
      %add3A_130 = arith.addi %add3A_129, %mul3A_128 : i32
      %mul3A_131 = arith.constant 2 : i32
      %mul3A_132 = arith.muli %mul3A_131, %add3A_130 : i32
      %add3A_133 = arith.constant 1 : i32
      %add3A_134 = arith.addi %mul3A_132, %add3A_133 : i32
      %dma_wait3A_135 = arith.constant 0 : i32
      %dma_wait3A_136 = tpu.memref_slice %arg9[%mul3A_132, %dma_wait3A_135] : memref<40x125xi32, #tpu.memory_space<vmem>> -> memref<1x125xi32, #tpu.memory_space<vmem>>
      %dma_wait3A_137 = tpu.memref_squeeze %dma_wait3A_136 : memref<1x125xi32, #tpu.memory_space<vmem>> -> memref<125xi32, #tpu.memory_space<vmem>>
      %dma_wait3A_138 = arith.constant 0 : i32
      %dma_wait3A_139 = arith.constant 0 : i32
      %dma_wait3A_140 = tpu.memref_slice %arg2[%dma_wait3A_138, %dma_wait3A_139] : memref<10000x128xf32, #tpu.memory_space<hbm>> -> memref<10000x128xf32, #tpu.memory_space<hbm>>
      tpu.wait_indirect_dma semaphore(%arg16 : memref<!tpu.dma_semaphore, #tpu.memory_space<semaphore_mem>>) src(%dma_wait3A_140 : memref<10000x128xf32, #tpu.memory_space<hbm>>) dst(%arg11 : memref<125x128xf32, #tpu.memory_space<vmem>>)
      %dma_start3A_141 = arith.constant 0 : i32
      %dma_start3A_142 = tpu.memref_slice %arg10[%mul3A_132, %dma_start3A_141] : memref<40x125xi32, #tpu.memory_space<vmem>> -> memref<1x125xi32, #tpu.memory_space<vmem>>
      %dma_start3A_143 = tpu.memref_squeeze %dma_start3A_142 : memref<1x125xi32, #tpu.memory_space<vmem>> -> memref<125xi32, #tpu.memory_space<vmem>>
      %dma_start3A_144 = arith.constant 0 : i32
      %dma_start3A_145 = arith.constant 0 : i32
      %dma_start3A_146 = tpu.memref_slice %arg14[%dma_start3A_144, %dma_start3A_145] : memref<10240x128xf32, #tpu.memory_space<vmem_shared>> -> memref<10240x128xf32, #tpu.memory_space<vmem_shared>>
      tpu.enqueue_indirect_dma source(%arg11 : memref<125x128xf32, #tpu.memory_space<vmem>>) target(%dma_start3A_146 : memref<10240x128xf32, #tpu.memory_space<vmem_shared>>) offsets(%dma_start3A_143 : memref<125xi32, #tpu.memory_space<vmem>>) semaphore(%arg18 : memref<!tpu.dma_semaphore, #tpu.memory_space<semaphore_mem>>) {add = true}
      %dma_wait3A_147 = arith.constant 0 : i32
      %dma_wait3A_148 = tpu.memref_slice %arg9[%add3A_134, %dma_wait3A_147] : memref<40x125xi32, #tpu.memory_space<vmem>> -> memref<1x125xi32, #tpu.memory_space<vmem>>
      %dma_wait3A_149 = tpu.memref_squeeze %dma_wait3A_148 : memref<1x125xi32, #tpu.memory_space<vmem>> -> memref<125xi32, #tpu.memory_space<vmem>>
      %dma_wait3A_150 = arith.constant 0 : i32
      %dma_wait3A_151 = arith.constant 0 : i32
      %dma_wait3A_152 = tpu.memref_slice %arg2[%dma_wait3A_150, %dma_wait3A_151] : memref<10000x128xf32, #tpu.memory_space<hbm>> -> memref<10000x128xf32, #tpu.memory_space<hbm>>
      tpu.wait_indirect_dma semaphore(%arg17 : memref<!tpu.dma_semaphore, #tpu.memory_space<semaphore_mem>>) src(%dma_wait3A_152 : memref<10000x128xf32, #tpu.memory_space<hbm>>) dst(%arg12 : memref<125x128xf32, #tpu.memory_space<vmem>>)
      %dma_wait3A_153 = arith.constant 0 : i32
      %dma_wait3A_154 = tpu.memref_slice %arg10[%mul3A_132, %dma_wait3A_153] : memref<40x125xi32, #tpu.memory_space<vmem>> -> memref<1x125xi32, #tpu.memory_space<vmem>>
      %dma_wait3A_155 = tpu.memref_squeeze %dma_wait3A_154 : memref<1x125xi32, #tpu.memory_space<vmem>> -> memref<125xi32, #tpu.memory_space<vmem>>
      %dma_wait3A_156 = arith.constant 0 : i32
      %dma_wait3A_157 = arith.constant 0 : i32
      %dma_wait3A_158 = tpu.memref_slice %arg14[%dma_wait3A_156, %dma_wait3A_157] : memref<10240x128xf32, #tpu.memory_space<vmem_shared>> -> memref<10240x128xf32, #tpu.memory_space<vmem_shared>>
      tpu.wait_indirect_dma semaphore(%arg18 : memref<!tpu.dma_semaphore, #tpu.memory_space<semaphore_mem>>) src(%arg11 : memref<125x128xf32, #tpu.memory_space<vmem>>) dst(%dma_wait3A_158 : memref<10240x128xf32, #tpu.memory_space<vmem_shared>>)
      %add3A_159 = arith.constant 2 : i32
      %add3A_160 = arith.addi %mul3A_132, %add3A_159 : i32
      %dma_start3A_161 = arith.constant 0 : i32
      %dma_start3A_162 = tpu.memref_slice %arg9[%add3A_160, %dma_start3A_161] : memref<40x125xi32, #tpu.memory_space<vmem>> -> memref<1x125xi32, #tpu.memory_space<vmem>>
      %dma_start3A_163 = tpu.memref_squeeze %dma_start3A_162 : memref<1x125xi32, #tpu.memory_space<vmem>> -> memref<125xi32, #tpu.memory_space<vmem>>
      %dma_start3A_164 = arith.constant 0 : i32
      %dma_start3A_165 = arith.constant 0 : i32
      %dma_start3A_166 = tpu.memref_slice %arg2[%dma_start3A_164, %dma_start3A_165] : memref<10000x128xf32, #tpu.memory_space<hbm>> -> memref<10000x128xf32, #tpu.memory_space<hbm>>
      tpu.enqueue_indirect_dma source(%dma_start3A_166 : memref<10000x128xf32, #tpu.memory_space<hbm>>) target(%arg11 : memref<125x128xf32, #tpu.memory_space<vmem>>) offsets(%dma_start3A_163 : memref<125xi32, #tpu.memory_space<vmem>>) semaphore(%arg16 : memref<!tpu.dma_semaphore, #tpu.memory_space<semaphore_mem>>)
      %dma_start3A_167 = arith.constant 0 : i32
      %dma_start3A_168 = tpu.memref_slice %arg10[%add3A_134, %dma_start3A_167] : memref<40x125xi32, #tpu.memory_space<vmem>> -> memref<1x125xi32, #tpu.memory_space<vmem>>
      %dma_start3A_169 = tpu.memref_squeeze %dma_start3A_168 : memref<1x125xi32, #tpu.memory_space<vmem>> -> memref<125xi32, #tpu.memory_space<vmem>>
      %dma_start3A_170 = arith.constant 0 : i32
      %dma_start3A_171 = arith.constant 0 : i32
      %dma_start3A_172 = tpu.memref_slice %arg14[%dma_start3A_170, %dma_start3A_171] : memref<10240x128xf32, #tpu.memory_space<vmem_shared>> -> memref<10240x128xf32, #tpu.memory_space<vmem_shared>>
      tpu.enqueue_indirect_dma source(%arg12 : memref<125x128xf32, #tpu.memory_space<vmem>>) target(%dma_start3A_172 : memref<10240x128xf32, #tpu.memory_space<vmem_shared>>) offsets(%dma_start3A_169 : memref<125xi32, #tpu.memory_space<vmem>>) semaphore(%arg19 : memref<!tpu.dma_semaphore, #tpu.memory_space<semaphore_mem>>) {add = true}
      %dma_wait3A_173 = arith.constant 0 : i32
      %dma_wait3A_174 = tpu.memref_slice %arg10[%add3A_134, %dma_wait3A_173] : memref<40x125xi32, #tpu.memory_space<vmem>> -> memref<1x125xi32, #tpu.memory_space<vmem>>
      %dma_wait3A_175 = tpu.memref_squeeze %dma_wait3A_174 : memref<1x125xi32, #tpu.memory_space<vmem>> -> memref<125xi32, #tpu.memory_space<vmem>>
      %dma_wait3A_176 = arith.constant 0 : i32
      %dma_wait3A_177 = arith.constant 0 : i32
      %dma_wait3A_178 = tpu.memref_slice %arg14[%dma_wait3A_176, %dma_wait3A_177] : memref<10240x128xf32, #tpu.memory_space<vmem_shared>> -> memref<10240x128xf32, #tpu.memory_space<vmem_shared>>
      tpu.wait_indirect_dma semaphore(%arg19 : memref<!tpu.dma_semaphore, #tpu.memory_space<semaphore_mem>>) src(%arg12 : memref<125x128xf32, #tpu.memory_space<vmem>>) dst(%dma_wait3A_178 : memref<10240x128xf32, #tpu.memory_space<vmem_shared>>)
      %add3A_179 = arith.constant 2 : i32
      %add3A_180 = arith.addi %add3A_134, %add3A_179 : i32
      %dma_start3A_181 = arith.constant 0 : i32
      %dma_start3A_182 = tpu.memref_slice %arg9[%add3A_180, %dma_start3A_181] : memref<40x125xi32, #tpu.memory_space<vmem>> -> memref<1x125xi32, #tpu.memory_space<vmem>>
      %dma_start3A_183 = tpu.memref_squeeze %dma_start3A_182 : memref<1x125xi32, #tpu.memory_space<vmem>> -> memref<125xi32, #tpu.memory_space<vmem>>
      %dma_start3A_184 = arith.constant 0 : i32
      %dma_start3A_185 = arith.constant 0 : i32
      %dma_start3A_186 = tpu.memref_slice %arg2[%dma_start3A_184, %dma_start3A_185] : memref<10000x128xf32, #tpu.memory_space<hbm>> -> memref<10000x128xf32, #tpu.memory_space<hbm>>
      tpu.enqueue_indirect_dma source(%dma_start3A_186 : memref<10000x128xf32, #tpu.memory_space<hbm>>) target(%arg12 : memref<125x128xf32, #tpu.memory_space<vmem>>) offsets(%dma_start3A_183 : memref<125xi32, #tpu.memory_space<vmem>>) semaphore(%arg17 : memref<!tpu.dma_semaphore, #tpu.memory_space<semaphore_mem>>)
    }
    %scan3A_20 = arith.constant 19 : i32
    %dma_wait3A = arith.constant 38 : i32
    %dma_wait3A_21 = arith.constant 0 : i32
    %dma_wait3A_22 = tpu.memref_slice %arg9[%dma_wait3A, %dma_wait3A_21] : memref<40x125xi32, #tpu.memory_space<vmem>> -> memref<1x125xi32, #tpu.memory_space<vmem>>
    %dma_wait3A_23 = tpu.memref_squeeze %dma_wait3A_22 : memref<1x125xi32, #tpu.memory_space<vmem>> -> memref<125xi32, #tpu.memory_space<vmem>>
    %dma_wait3A_24 = arith.constant 0 : i32
    %dma_wait3A_25 = arith.constant 0 : i32
    %dma_wait3A_26 = tpu.memref_slice %arg2[%dma_wait3A_24, %dma_wait3A_25] : memref<10000x128xf32, #tpu.memory_space<hbm>> -> memref<10000x128xf32, #tpu.memory_space<hbm>>
    tpu.wait_indirect_dma semaphore(%arg16 : memref<!tpu.dma_semaphore, #tpu.memory_space<semaphore_mem>>) src(%dma_wait3A_26 : memref<10000x128xf32, #tpu.memory_space<hbm>>) dst(%arg11 : memref<125x128xf32, #tpu.memory_space<vmem>>)
    %dma_start3A_27 = arith.constant 38 : i32
    %dma_start3A_28 = arith.constant 0 : i32
    %dma_start3A_29 = tpu.memref_slice %arg10[%dma_start3A_27, %dma_start3A_28] : memref<40x125xi32, #tpu.memory_space<vmem>> -> memref<1x125xi32, #tpu.memory_space<vmem>>
    %dma_start3A_30 = tpu.memref_squeeze %dma_start3A_29 : memref<1x125xi32, #tpu.memory_space<vmem>> -> memref<125xi32, #tpu.memory_space<vmem>>
    %dma_start3A_31 = arith.constant 0 : i32
    %dma_start3A_32 = arith.constant 0 : i32
    %dma_start3A_33 = tpu.memref_slice %arg14[%dma_start3A_31, %dma_start3A_32] : memref<10240x128xf32, #tpu.memory_space<vmem_shared>> -> memref<10240x128xf32, #tpu.memory_space<vmem_shared>>
    tpu.enqueue_indirect_dma source(%arg11 : memref<125x128xf32, #tpu.memory_space<vmem>>) target(%dma_start3A_33 : memref<10240x128xf32, #tpu.memory_space<vmem_shared>>) offsets(%dma_start3A_30 : memref<125xi32, #tpu.memory_space<vmem>>) semaphore(%arg18 : memref<!tpu.dma_semaphore, #tpu.memory_space<semaphore_mem>>) {add = true}
    %dma_wait3A_34 = arith.constant 39 : i32
    %dma_wait3A_35 = arith.constant 0 : i32
    %dma_wait3A_36 = tpu.memref_slice %arg9[%dma_wait3A_34, %dma_wait3A_35] : memref<40x125xi32, #tpu.memory_space<vmem>> -> memref<1x125xi32, #tpu.memory_space<vmem>>
    %dma_wait3A_37 = tpu.memref_squeeze %dma_wait3A_36 : memref<1x125xi32, #tpu.memory_space<vmem>> -> memref<125xi32, #tpu.memory_space<vmem>>
    %dma_wait3A_38 = arith.constant 0 : i32
    %dma_wait3A_39 = arith.constant 0 : i32
    %dma_wait3A_40 = tpu.memref_slice %arg2[%dma_wait3A_38, %dma_wait3A_39] : memref<10000x128xf32, #tpu.memory_space<hbm>> -> memref<10000x128xf32, #tpu.memory_space<hbm>>
    tpu.wait_indirect_dma semaphore(%arg17 : memref<!tpu.dma_semaphore, #tpu.memory_space<semaphore_mem>>) src(%dma_wait3A_40 : memref<10000x128xf32, #tpu.memory_space<hbm>>) dst(%arg12 : memref<125x128xf32, #tpu.memory_space<vmem>>)
    %dma_wait3A_41 = arith.constant 38 : i32
    %dma_wait3A_42 = arith.constant 0 : i32
    %dma_wait3A_43 = tpu.memref_slice %arg10[%dma_wait3A_41, %dma_wait3A_42] : memref<40x125xi32, #tpu.memory_space<vmem>> -> memref<1x125xi32, #tpu.memory_space<vmem>>
    %dma_wait3A_44 = tpu.memref_squeeze %dma_wait3A_43 : memref<1x125xi32, #tpu.memory_space<vmem>> -> memref<125xi32, #tpu.memory_space<vmem>>
    %dma_wait3A_45 = arith.constant 0 : i32
    %dma_wait3A_46 = arith.constant 0 : i32
    %dma_wait3A_47 = tpu.memref_slice %arg14[%dma_wait3A_45, %dma_wait3A_46] : memref<10240x128xf32, #tpu.memory_space<vmem_shared>> -> memref<10240x128xf32, #tpu.memory_space<vmem_shared>>
    tpu.wait_indirect_dma semaphore(%arg18 : memref<!tpu.dma_semaphore, #tpu.memory_space<semaphore_mem>>) src(%arg11 : memref<125x128xf32, #tpu.memory_space<vmem>>) dst(%dma_wait3A_47 : memref<10240x128xf32, #tpu.memory_space<vmem_shared>>)
    %dma_start3A_48 = arith.constant 39 : i32
    %dma_start3A_49 = arith.constant 0 : i32
    %dma_start3A_50 = tpu.memref_slice %arg10[%dma_start3A_48, %dma_start3A_49] : memref<40x125xi32, #tpu.memory_space<vmem>> -> memref<1x125xi32, #tpu.memory_space<vmem>>
    %dma_start3A_51 = tpu.memref_squeeze %dma_start3A_50 : memref<1x125xi32, #tpu.memory_space<vmem>> -> memref<125xi32, #tpu.memory_space<vmem>>
    %dma_start3A_52 = arith.constant 0 : i32
    %dma_start3A_53 = arith.constant 0 : i32
    %dma_start3A_54 = tpu.memref_slice %arg14[%dma_start3A_52, %dma_start3A_53] : memref<10240x128xf32, #tpu.memory_space<vmem_shared>> -> memref<10240x128xf32, #tpu.memory_space<vmem_shared>>
    tpu.enqueue_indirect_dma source(%arg12 : memref<125x128xf32, #tpu.memory_space<vmem>>) target(%dma_start3A_54 : memref<10240x128xf32, #tpu.memory_space<vmem_shared>>) offsets(%dma_start3A_51 : memref<125xi32, #tpu.memory_space<vmem>>) semaphore(%arg19 : memref<!tpu.dma_semaphore, #tpu.memory_space<semaphore_mem>>) {add = true}
    %dma_wait3A_55 = arith.constant 39 : i32
    %dma_wait3A_56 = arith.constant 0 : i32
    %dma_wait3A_57 = tpu.memref_slice %arg10[%dma_wait3A_55, %dma_wait3A_56] : memref<40x125xi32, #tpu.memory_space<vmem>> -> memref<1x125xi32, #tpu.memory_space<vmem>>
    %dma_wait3A_58 = tpu.memref_squeeze %dma_wait3A_57 : memref<1x125xi32, #tpu.memory_space<vmem>> -> memref<125xi32, #tpu.memory_space<vmem>>
    %dma_wait3A_59 = arith.constant 0 : i32
    %dma_wait3A_60 = arith.constant 0 : i32
    %dma_wait3A_61 = tpu.memref_slice %arg14[%dma_wait3A_59, %dma_wait3A_60] : memref<10240x128xf32, #tpu.memory_space<vmem_shared>> -> memref<10240x128xf32, #tpu.memory_space<vmem_shared>>
    tpu.wait_indirect_dma semaphore(%arg19 : memref<!tpu.dma_semaphore, #tpu.memory_space<semaphore_mem>>) src(%arg12 : memref<125x128xf32, #tpu.memory_space<vmem>>) dst(%dma_wait3A_61 : memref<10240x128xf32, #tpu.memory_space<vmem_shared>>)
    %run_scoped3A_62 = arith.constant 1 : i32
    "tpu.region"() ({
      %run_scoped3A_126 = tpu.sem_alloc : memref<!tpu.dma_semaphore, #tpu.memory_space<semaphore_mem>>
      %dma_start3A_127 = arith.constant 0 : i32
      %dma_start3A_128 = arith.constant 0 : i32
      %dma_start3A_129 = tpu.memref_slice %arg3[%add3A, %run_scoped3A_62, %dma_start3A_127, %dma_start3A_128] : memref<32x2x40x125xi32, #tpu.memory_space<hbm>> -> memref<1x1x40x125xi32, #tpu.memory_space<hbm>>
      %dma_start3A_130 = tpu.memref_squeeze %dma_start3A_129 : memref<1x1x40x125xi32, #tpu.memory_space<hbm>> -> memref<40x125xi32, #tpu.memory_space<hbm>>
      %dma_start3A_131 = arith.constant 0 : i32
      %dma_start3A_132 = arith.constant 0 : i32
      %dma_start3A_133 = tpu.memref_slice %arg3[%add3A, %run_scoped3A_62, %dma_start3A_131, %dma_start3A_132] : memref<32x2x40x125xi32, #tpu.memory_space<hbm>> -> memref<1x1x40x125xi32, #tpu.memory_space<hbm>>
      %dma_start3A_134 = tpu.memref_squeeze %dma_start3A_133 : memref<1x1x40x125xi32, #tpu.memory_space<hbm>> -> memref<40x125xi32, #tpu.memory_space<hbm>>
      tpu.enqueue_dma source(%dma_start3A_134 : memref<40x125xi32, #tpu.memory_space<hbm>>) target(%arg9 : memref<40x125xi32, #tpu.memory_space<vmem>>) target_semaphore(%run_scoped3A_126 : memref<!tpu.dma_semaphore, #tpu.memory_space<semaphore_mem>>)
      %dma_wait3A_135 = arith.constant 0 : i32
      %dma_wait3A_136 = arith.constant 0 : i32
      %dma_wait3A_137 = tpu.memref_slice %arg3[%add3A, %run_scoped3A_62, %dma_wait3A_135, %dma_wait3A_136] : memref<32x2x40x125xi32, #tpu.memory_space<hbm>> -> memref<1x1x40x125xi32, #tpu.memory_space<hbm>>
      %dma_wait3A_138 = tpu.memref_squeeze %dma_wait3A_137 : memref<1x1x40x125xi32, #tpu.memory_space<hbm>> -> memref<40x125xi32, #tpu.memory_space<hbm>>
      %dma_wait3A_139 = arith.constant 0 : i32
      %dma_wait3A_140 = arith.constant 0 : i32
      %dma_wait3A_141 = tpu.memref_slice %arg3[%add3A, %run_scoped3A_62, %dma_wait3A_139, %dma_wait3A_140] : memref<32x2x40x125xi32, #tpu.memory_space<hbm>> -> memref<1x1x40x125xi32, #tpu.memory_space<hbm>>
      %dma_wait3A_142 = tpu.memref_squeeze %dma_wait3A_141 : memref<1x1x40x125xi32, #tpu.memory_space<hbm>> -> memref<40x125xi32, #tpu.memory_space<hbm>>
      tpu.wait_dma2 semaphore(%run_scoped3A_126 : memref<!tpu.dma_semaphore, #tpu.memory_space<semaphore_mem>>) src(%dma_wait3A_142 : memref<40x125xi32, #tpu.memory_space<hbm>>) dst(%arg9 : memref<40x125xi32, #tpu.memory_space<vmem>>)
      tpu.yield
    }) : () -> ()
    %run_scoped3A_63 = arith.constant 1 : i32
    "tpu.region"() ({
      %run_scoped3A_126 = tpu.sem_alloc : memref<!tpu.dma_semaphore, #tpu.memory_space<semaphore_mem>>
      %dma_start3A_127 = arith.constant 0 : i32
      %dma_start3A_128 = arith.constant 0 : i32
      %dma_start3A_129 = tpu.memref_slice %arg4[%add3A, %run_scoped3A_63, %dma_start3A_127, %dma_start3A_128] : memref<32x2x40x125xi32, #tpu.memory_space<hbm>> -> memref<1x1x40x125xi32, #tpu.memory_space<hbm>>
      %dma_start3A_130 = tpu.memref_squeeze %dma_start3A_129 : memref<1x1x40x125xi32, #tpu.memory_space<hbm>> -> memref<40x125xi32, #tpu.memory_space<hbm>>
      %dma_start3A_131 = arith.constant 0 : i32
      %dma_start3A_132 = arith.constant 0 : i32
      %dma_start3A_133 = tpu.memref_slice %arg4[%add3A, %run_scoped3A_63, %dma_start3A_131, %dma_start3A_132] : memref<32x2x40x125xi32, #tpu.memory_space<hbm>> -> memref<1x1x40x125xi32, #tpu.memory_space<hbm>>
      %dma_start3A_134 = tpu.memref_squeeze %dma_start3A_133 : memref<1x1x40x125xi32, #tpu.memory_space<hbm>> -> memref<40x125xi32, #tpu.memory_space<hbm>>
      tpu.enqueue_dma source(%dma_start3A_134 : memref<40x125xi32, #tpu.memory_space<hbm>>) target(%arg10 : memref<40x125xi32, #tpu.memory_space<vmem>>) target_semaphore(%run_scoped3A_126 : memref<!tpu.dma_semaphore, #tpu.memory_space<semaphore_mem>>)
      %dma_wait3A_135 = arith.constant 0 : i32
      %dma_wait3A_136 = arith.constant 0 : i32
      %dma_wait3A_137 = tpu.memref_slice %arg4[%add3A, %run_scoped3A_63, %dma_wait3A_135, %dma_wait3A_136] : memref<32x2x40x125xi32, #tpu.memory_space<hbm>> -> memref<1x1x40x125xi32, #tpu.memory_space<hbm>>
      %dma_wait3A_138 = tpu.memref_squeeze %dma_wait3A_137 : memref<1x1x40x125xi32, #tpu.memory_space<hbm>> -> memref<40x125xi32, #tpu.memory_space<hbm>>
      %dma_wait3A_139 = arith.constant 0 : i32
      %dma_wait3A_140 = arith.constant 0 : i32
      %dma_wait3A_141 = tpu.memref_slice %arg4[%add3A, %run_scoped3A_63, %dma_wait3A_139, %dma_wait3A_140] : memref<32x2x40x125xi32, #tpu.memory_space<hbm>> -> memref<1x1x40x125xi32, #tpu.memory_space<hbm>>
      %dma_wait3A_142 = tpu.memref_squeeze %dma_wait3A_141 : memref<1x1x40x125xi32, #tpu.memory_space<hbm>> -> memref<40x125xi32, #tpu.memory_space<hbm>>
      tpu.wait_dma2 semaphore(%run_scoped3A_126 : memref<!tpu.dma_semaphore, #tpu.memory_space<semaphore_mem>>) src(%dma_wait3A_142 : memref<40x125xi32, #tpu.memory_space<hbm>>) dst(%arg10 : memref<40x125xi32, #tpu.memory_space<vmem>>)
      tpu.yield
    }) : () -> ()
    %dma_start3A_64 = arith.constant 0 : i32
    %dma_start3A_65 = arith.constant 0 : i32
    %dma_start3A_66 = tpu.memref_slice %arg9[%dma_start3A_64, %dma_start3A_65] : memref<40x125xi32, #tpu.memory_space<vmem>> -> memref<1x125xi32, #tpu.memory_space<vmem>>
    %dma_start3A_67 = tpu.memref_squeeze %dma_start3A_66 : memref<1x125xi32, #tpu.memory_space<vmem>> -> memref<125xi32, #tpu.memory_space<vmem>>
    %dma_start3A_68 = arith.constant 0 : i32
    %dma_start3A_69 = arith.constant 0 : i32
    %dma_start3A_70 = tpu.memref_slice %arg2[%dma_start3A_68, %dma_start3A_69] : memref<10000x128xf32, #tpu.memory_space<hbm>> -> memref<10000x128xf32, #tpu.memory_space<hbm>>
    tpu.enqueue_indirect_dma source(%dma_start3A_70 : memref<10000x128xf32, #tpu.memory_space<hbm>>) target(%arg11 : memref<125x128xf32, #tpu.memory_space<vmem>>) offsets(%dma_start3A_67 : memref<125xi32, #tpu.memory_space<vmem>>) semaphore(%arg16 : memref<!tpu.dma_semaphore, #tpu.memory_space<semaphore_mem>>)
    %dma_start3A_71 = arith.constant 1 : i32
    %dma_start3A_72 = arith.constant 0 : i32
    %dma_start3A_73 = tpu.memref_slice %arg9[%dma_start3A_71, %dma_start3A_72] : memref<40x125xi32, #tpu.memory_space<vmem>> -> memref<1x125xi32, #tpu.memory_space<vmem>>
    %dma_start3A_74 = tpu.memref_squeeze %dma_start3A_73 : memref<1x125xi32, #tpu.memory_space<vmem>> -> memref<125xi32, #tpu.memory_space<vmem>>
    %dma_start3A_75 = arith.constant 0 : i32
    %dma_start3A_76 = arith.constant 0 : i32
    %dma_start3A_77 = tpu.memref_slice %arg2[%dma_start3A_75, %dma_start3A_76] : memref<10000x128xf32, #tpu.memory_space<hbm>> -> memref<10000x128xf32, #tpu.memory_space<hbm>>
    tpu.enqueue_indirect_dma source(%dma_start3A_77 : memref<10000x128xf32, #tpu.memory_space<hbm>>) target(%arg12 : memref<125x128xf32, #tpu.memory_space<vmem>>) offsets(%dma_start3A_74 : memref<125xi32, #tpu.memory_space<vmem>>) semaphore(%arg17 : memref<!tpu.dma_semaphore, #tpu.memory_space<semaphore_mem>>)
    %scan3A_78 = arith.constant 0 : i32
    %scan3A_79 = arith.constant 19 : i32
    %scan3A_80 = arith.addi %scan3A_78, %scan3A_79 : i32
    %scan3A_81 = arith.constant 1 : i32
    scf.for %scan3A_126 = %scan3A_78 to %scan3A_80 step %scan3A_81  : i32 {
      %mul3A_127 = arith.constant 1 : i32
      %mul3A_128 = arith.muli %scan3A_126, %mul3A_127 : i32
      %add3A_129 = arith.constant 0 : i32
      %add3A_130 = arith.addi %add3A_129, %mul3A_128 : i32
      %mul3A_131 = arith.constant 2 : i32
      %mul3A_132 = arith.muli %mul3A_131, %add3A_130 : i32
      %add3A_133 = arith.constant 1 : i32
      %add3A_134 = arith.addi %mul3A_132, %add3A_133 : i32
      %dma_wait3A_135 = arith.constant 0 : i32
      %dma_wait3A_136 = tpu.memref_slice %arg9[%mul3A_132, %dma_wait3A_135] : memref<40x125xi32, #tpu.memory_space<vmem>> -> memref<1x125xi32, #tpu.memory_space<vmem>>
      %dma_wait3A_137 = tpu.memref_squeeze %dma_wait3A_136 : memref<1x125xi32, #tpu.memory_space<vmem>> -> memref<125xi32, #tpu.memory_space<vmem>>
      %dma_wait3A_138 = arith.constant 0 : i32
      %dma_wait3A_139 = arith.constant 0 : i32
      %dma_wait3A_140 = tpu.memref_slice %arg2[%dma_wait3A_138, %dma_wait3A_139] : memref<10000x128xf32, #tpu.memory_space<hbm>> -> memref<10000x128xf32, #tpu.memory_space<hbm>>
      tpu.wait_indirect_dma semaphore(%arg16 : memref<!tpu.dma_semaphore, #tpu.memory_space<semaphore_mem>>) src(%dma_wait3A_140 : memref<10000x128xf32, #tpu.memory_space<hbm>>) dst(%arg11 : memref<125x128xf32, #tpu.memory_space<vmem>>)
      %dma_start3A_141 = arith.constant 0 : i32
      %dma_start3A_142 = tpu.memref_slice %arg10[%mul3A_132, %dma_start3A_141] : memref<40x125xi32, #tpu.memory_space<vmem>> -> memref<1x125xi32, #tpu.memory_space<vmem>>
      %dma_start3A_143 = tpu.memref_squeeze %dma_start3A_142 : memref<1x125xi32, #tpu.memory_space<vmem>> -> memref<125xi32, #tpu.memory_space<vmem>>
      %dma_start3A_144 = arith.constant 0 : i32
      %dma_start3A_145 = arith.constant 0 : i32
      %dma_start3A_146 = tpu.memref_slice %arg14[%dma_start3A_144, %dma_start3A_145] : memref<10240x128xf32, #tpu.memory_space<vmem_shared>> -> memref<10240x128xf32, #tpu.memory_space<vmem_shared>>
      tpu.enqueue_indirect_dma source(%arg11 : memref<125x128xf32, #tpu.memory_space<vmem>>) target(%dma_start3A_146 : memref<10240x128xf32, #tpu.memory_space<vmem_shared>>) offsets(%dma_start3A_143 : memref<125xi32, #tpu.memory_space<vmem>>) semaphore(%arg18 : memref<!tpu.dma_semaphore, #tpu.memory_space<semaphore_mem>>) {add = true}
      %dma_wait3A_147 = arith.constant 0 : i32
      %dma_wait3A_148 = tpu.memref_slice %arg9[%add3A_134, %dma_wait3A_147] : memref<40x125xi32, #tpu.memory_space<vmem>> -> memref<1x125xi32, #tpu.memory_space<vmem>>
      %dma_wait3A_149 = tpu.memref_squeeze %dma_wait3A_148 : memref<1x125xi32, #tpu.memory_space<vmem>> -> memref<125xi32, #tpu.memory_space<vmem>>
      %dma_wait3A_150 = arith.constant 0 : i32
      %dma_wait3A_151 = arith.constant 0 : i32
      %dma_wait3A_152 = tpu.memref_slice %arg2[%dma_wait3A_150, %dma_wait3A_151] : memref<10000x128xf32, #tpu.memory_space<hbm>> -> memref<10000x128xf32, #tpu.memory_space<hbm>>
      tpu.wait_indirect_dma semaphore(%arg17 : memref<!tpu.dma_semaphore, #tpu.memory_space<semaphore_mem>>) src(%dma_wait3A_152 : memref<10000x128xf32, #tpu.memory_space<hbm>>) dst(%arg12 : memref<125x128xf32, #tpu.memory_space<vmem>>)
      %dma_wait3A_153 = arith.constant 0 : i32
      %dma_wait3A_154 = tpu.memref_slice %arg10[%mul3A_132, %dma_wait3A_153] : memref<40x125xi32, #tpu.memory_space<vmem>> -> memref<1x125xi32, #tpu.memory_space<vmem>>
      %dma_wait3A_155 = tpu.memref_squeeze %dma_wait3A_154 : memref<1x125xi32, #tpu.memory_space<vmem>> -> memref<125xi32, #tpu.memory_space<vmem>>
      %dma_wait3A_156 = arith.constant 0 : i32
      %dma_wait3A_157 = arith.constant 0 : i32
      %dma_wait3A_158 = tpu.memref_slice %arg14[%dma_wait3A_156, %dma_wait3A_157] : memref<10240x128xf32, #tpu.memory_space<vmem_shared>> -> memref<10240x128xf32, #tpu.memory_space<vmem_shared>>
      tpu.wait_indirect_dma semaphore(%arg18 : memref<!tpu.dma_semaphore, #tpu.memory_space<semaphore_mem>>) src(%arg11 : memref<125x128xf32, #tpu.memory_space<vmem>>) dst(%dma_wait3A_158 : memref<10240x128xf32, #tpu.memory_space<vmem_shared>>)
      %add3A_159 = arith.constant 2 : i32
      %add3A_160 = arith.addi %mul3A_132, %add3A_159 : i32
      %dma_start3A_161 = arith.constant 0 : i32
      %dma_start3A_162 = tpu.memref_slice %arg9[%add3A_160, %dma_start3A_161] : memref<40x125xi32, #tpu.memory_space<vmem>> -> memref<1x125xi32, #tpu.memory_space<vmem>>
      %dma_start3A_163 = tpu.memref_squeeze %dma_start3A_162 : memref<1x125xi32, #tpu.memory_space<vmem>> -> memref<125xi32, #tpu.memory_space<vmem>>
      %dma_start3A_164 = arith.constant 0 : i32
      %dma_start3A_165 = arith.constant 0 : i32
      %dma_start3A_166 = tpu.memref_slice %arg2[%dma_start3A_164, %dma_start3A_165] : memref<10000x128xf32, #tpu.memory_space<hbm>> -> memref<10000x128xf32, #tpu.memory_space<hbm>>
      tpu.enqueue_indirect_dma source(%dma_start3A_166 : memref<10000x128xf32, #tpu.memory_space<hbm>>) target(%arg11 : memref<125x128xf32, #tpu.memory_space<vmem>>) offsets(%dma_start3A_163 : memref<125xi32, #tpu.memory_space<vmem>>) semaphore(%arg16 : memref<!tpu.dma_semaphore, #tpu.memory_space<semaphore_mem>>)
      %dma_start3A_167 = arith.constant 0 : i32
      %dma_start3A_168 = tpu.memref_slice %arg10[%add3A_134, %dma_start3A_167] : memref<40x125xi32, #tpu.memory_space<vmem>> -> memref<1x125xi32, #tpu.memory_space<vmem>>
      %dma_start3A_169 = tpu.memref_squeeze %dma_start3A_168 : memref<1x125xi32, #tpu.memory_space<vmem>> -> memref<125xi32, #tpu.memory_space<vmem>>
      %dma_start3A_170 = arith.constant 0 : i32
      %dma_start3A_171 = arith.constant 0 : i32
      %dma_start3A_172 = tpu.memref_slice %arg14[%dma_start3A_170, %dma_start3A_171] : memref<10240x128xf32, #tpu.memory_space<vmem_shared>> -> memref<10240x128xf32, #tpu.memory_space<vmem_shared>>
      tpu.enqueue_indirect_dma source(%arg12 : memref<125x128xf32, #tpu.memory_space<vmem>>) target(%dma_start3A_172 : memref<10240x128xf32, #tpu.memory_space<vmem_shared>>) offsets(%dma_start3A_169 : memref<125xi32, #tpu.memory_space<vmem>>) semaphore(%arg19 : memref<!tpu.dma_semaphore, #tpu.memory_space<semaphore_mem>>) {add = true}
      %dma_wait3A_173 = arith.constant 0 : i32
      %dma_wait3A_174 = tpu.memref_slice %arg10[%add3A_134, %dma_wait3A_173] : memref<40x125xi32, #tpu.memory_space<vmem>> -> memref<1x125xi32, #tpu.memory_space<vmem>>
      %dma_wait3A_175 = tpu.memref_squeeze %dma_wait3A_174 : memref<1x125xi32, #tpu.memory_space<vmem>> -> memref<125xi32, #tpu.memory_space<vmem>>
      %dma_wait3A_176 = arith.constant 0 : i32
      %dma_wait3A_177 = arith.constant 0 : i32
      %dma_wait3A_178 = tpu.memref_slice %arg14[%dma_wait3A_176, %dma_wait3A_177] : memref<10240x128xf32, #tpu.memory_space<vmem_shared>> -> memref<10240x128xf32, #tpu.memory_space<vmem_shared>>
      tpu.wait_indirect_dma semaphore(%arg19 : memref<!tpu.dma_semaphore, #tpu.memory_space<semaphore_mem>>) src(%arg12 : memref<125x128xf32, #tpu.memory_space<vmem>>) dst(%dma_wait3A_178 : memref<10240x128xf32, #tpu.memory_space<vmem_shared>>)
      %add3A_179 = arith.constant 2 : i32
      %add3A_180 = arith.addi %add3A_134, %add3A_179 : i32
      %dma_start3A_181 = arith.constant 0 : i32
      %dma_start3A_182 = tpu.memref_slice %arg9[%add3A_180, %dma_start3A_181] : memref<40x125xi32, #tpu.memory_space<vmem>> -> memref<1x125xi32, #tpu.memory_space<vmem>>
      %dma_start3A_183 = tpu.memref_squeeze %dma_start3A_182 : memref<1x125xi32, #tpu.memory_space<vmem>> -> memref<125xi32, #tpu.memory_space<vmem>>
      %dma_start3A_184 = arith.constant 0 : i32
      %dma_start3A_185 = arith.constant 0 : i32
      %dma_start3A_186 = tpu.memref_slice %arg2[%dma_start3A_184, %dma_start3A_185] : memref<10000x128xf32, #tpu.memory_space<hbm>> -> memref<10000x128xf32, #tpu.memory_space<hbm>>
      tpu.enqueue_indirect_dma source(%dma_start3A_186 : memref<10000x128xf32, #tpu.memory_space<hbm>>) target(%arg12 : memref<125x128xf32, #tpu.memory_space<vmem>>) offsets(%dma_start3A_183 : memref<125xi32, #tpu.memory_space<vmem>>) semaphore(%arg17 : memref<!tpu.dma_semaphore, #tpu.memory_space<semaphore_mem>>)
    }
    %scan3A_82 = arith.constant 19 : i32
    %dma_wait3A_83 = arith.constant 38 : i32
    %dma_wait3A_84 = arith.constant 0 : i32
    %dma_wait3A_85 = tpu.memref_slice %arg9[%dma_wait3A_83, %dma_wait3A_84] : memref<40x125xi32, #tpu.memory_space<vmem>> -> memref<1x125xi32, #tpu.memory_space<vmem>>
    %dma_wait3A_86 = tpu.memref_squeeze %dma_wait3A_85 : memref<1x125xi32, #tpu.memory_space<vmem>> -> memref<125xi32, #tpu.memory_space<vmem>>
    %dma_wait3A_87 = arith.constant 0 : i32
    %dma_wait3A_88 = arith.constant 0 : i32
    %dma_wait3A_89 = tpu.memref_slice %arg2[%dma_wait3A_87, %dma_wait3A_88] : memref<10000x128xf32, #tpu.memory_space<hbm>> -> memref<10000x128xf32, #tpu.memory_space<hbm>>
    tpu.wait_indirect_dma semaphore(%arg16 : memref<!tpu.dma_semaphore, #tpu.memory_space<semaphore_mem>>) src(%dma_wait3A_89 : memref<10000x128xf32, #tpu.memory_space<hbm>>) dst(%arg11 : memref<125x128xf32, #tpu.memory_space<vmem>>)
    %dma_start3A_90 = arith.constant 38 : i32
    %dma_start3A_91 = arith.constant 0 : i32
    %dma_start3A_92 = tpu.memref_slice %arg10[%dma_start3A_90, %dma_start3A_91] : memref<40x125xi32, #tpu.memory_space<vmem>> -> memref<1x125xi32, #tpu.memory_space<vmem>>
    %dma_start3A_93 = tpu.memref_squeeze %dma_start3A_92 : memref<1x125xi32, #tpu.memory_space<vmem>> -> memref<125xi32, #tpu.memory_space<vmem>>
    %dma_start3A_94 = arith.constant 0 : i32
    %dma_start3A_95 = arith.constant 0 : i32
    %dma_start3A_96 = tpu.memref_slice %arg14[%dma_start3A_94, %dma_start3A_95] : memref<10240x128xf32, #tpu.memory_space<vmem_shared>> -> memref<10240x128xf32, #tpu.memory_space<vmem_shared>>
    tpu.enqueue_indirect_dma source(%arg11 : memref<125x128xf32, #tpu.memory_space<vmem>>) target(%dma_start3A_96 : memref<10240x128xf32, #tpu.memory_space<vmem_shared>>) offsets(%dma_start3A_93 : memref<125xi32, #tpu.memory_space<vmem>>) semaphore(%arg18 : memref<!tpu.dma_semaphore, #tpu.memory_space<semaphore_mem>>) {add = true}
    %dma_wait3A_97 = arith.constant 39 : i32
    %dma_wait3A_98 = arith.constant 0 : i32
    %dma_wait3A_99 = tpu.memref_slice %arg9[%dma_wait3A_97, %dma_wait3A_98] : memref<40x125xi32, #tpu.memory_space<vmem>> -> memref<1x125xi32, #tpu.memory_space<vmem>>
    %dma_wait3A_100 = tpu.memref_squeeze %dma_wait3A_99 : memref<1x125xi32, #tpu.memory_space<vmem>> -> memref<125xi32, #tpu.memory_space<vmem>>
    %dma_wait3A_101 = arith.constant 0 : i32
    %dma_wait3A_102 = arith.constant 0 : i32
    %dma_wait3A_103 = tpu.memref_slice %arg2[%dma_wait3A_101, %dma_wait3A_102] : memref<10000x128xf32, #tpu.memory_space<hbm>> -> memref<10000x128xf32, #tpu.memory_space<hbm>>
    tpu.wait_indirect_dma semaphore(%arg17 : memref<!tpu.dma_semaphore, #tpu.memory_space<semaphore_mem>>) src(%dma_wait3A_103 : memref<10000x128xf32, #tpu.memory_space<hbm>>) dst(%arg12 : memref<125x128xf32, #tpu.memory_space<vmem>>)
    %dma_wait3A_104 = arith.constant 38 : i32
    %dma_wait3A_105 = arith.constant 0 : i32
    %dma_wait3A_106 = tpu.memref_slice %arg10[%dma_wait3A_104, %dma_wait3A_105] : memref<40x125xi32, #tpu.memory_space<vmem>> -> memref<1x125xi32, #tpu.memory_space<vmem>>
    %dma_wait3A_107 = tpu.memref_squeeze %dma_wait3A_106 : memref<1x125xi32, #tpu.memory_space<vmem>> -> memref<125xi32, #tpu.memory_space<vmem>>
    %dma_wait3A_108 = arith.constant 0 : i32
    %dma_wait3A_109 = arith.constant 0 : i32
    %dma_wait3A_110 = tpu.memref_slice %arg14[%dma_wait3A_108, %dma_wait3A_109] : memref<10240x128xf32, #tpu.memory_space<vmem_shared>> -> memref<10240x128xf32, #tpu.memory_space<vmem_shared>>
    tpu.wait_indirect_dma semaphore(%arg18 : memref<!tpu.dma_semaphore, #tpu.memory_space<semaphore_mem>>) src(%arg11 : memref<125x128xf32, #tpu.memory_space<vmem>>) dst(%dma_wait3A_110 : memref<10240x128xf32, #tpu.memory_space<vmem_shared>>)
    %dma_start3A_111 = arith.constant 39 : i32
    %dma_start3A_112 = arith.constant 0 : i32
    %dma_start3A_113 = tpu.memref_slice %arg10[%dma_start3A_111, %dma_start3A_112] : memref<40x125xi32, #tpu.memory_space<vmem>> -> memref<1x125xi32, #tpu.memory_space<vmem>>
    %dma_start3A_114 = tpu.memref_squeeze %dma_start3A_113 : memref<1x125xi32, #tpu.memory_space<vmem>> -> memref<125xi32, #tpu.memory_space<vmem>>
    %dma_start3A_115 = arith.constant 0 : i32
    %dma_start3A_116 = arith.constant 0 : i32
    %dma_start3A_117 = tpu.memref_slice %arg14[%dma_start3A_115, %dma_start3A_116] : memref<10240x128xf32, #tpu.memory_space<vmem_shared>> -> memref<10240x128xf32, #tpu.memory_space<vmem_shared>>
    tpu.enqueue_indirect_dma source(%arg12 : memref<125x128xf32, #tpu.memory_space<vmem>>) target(%dma_start3A_117 : memref<10240x128xf32, #tpu.memory_space<vmem_shared>>) offsets(%dma_start3A_114 : memref<125xi32, #tpu.memory_space<vmem>>) semaphore(%arg19 : memref<!tpu.dma_semaphore, #tpu.memory_space<semaphore_mem>>) {add = true}
    %dma_wait3A_118 = arith.constant 39 : i32
    %dma_wait3A_119 = arith.constant 0 : i32
    %dma_wait3A_120 = tpu.memref_slice %arg10[%dma_wait3A_118, %dma_wait3A_119] : memref<40x125xi32, #tpu.memory_space<vmem>> -> memref<1x125xi32, #tpu.memory_space<vmem>>
    %dma_wait3A_121 = tpu.memref_squeeze %dma_wait3A_120 : memref<1x125xi32, #tpu.memory_space<vmem>> -> memref<125xi32, #tpu.memory_space<vmem>>
    %dma_wait3A_122 = arith.constant 0 : i32
    %dma_wait3A_123 = arith.constant 0 : i32
    %dma_wait3A_124 = tpu.memref_slice %arg14[%dma_wait3A_122, %dma_wait3A_123] : memref<10240x128xf32, #tpu.memory_space<vmem_shared>> -> memref<10240x128xf32, #tpu.memory_space<vmem_shared>>
    tpu.wait_indirect_dma semaphore(%arg19 : memref<!tpu.dma_semaphore, #tpu.memory_space<semaphore_mem>>) src(%arg12 : memref<125x128xf32, #tpu.memory_space<vmem>>) dst(%dma_wait3A_124 : memref<10240x128xf32, #tpu.memory_space<vmem_shared>>)
    %barrier3A_125 = arith.constant 0 : index
    tpu.barrier barrier_id(%barrier3A_125)
    "tpu.region"() ({
      %run_scoped3A_126 = tpu.sem_alloc : memref<!tpu.dma_semaphore, #tpu.memory_space<semaphore_mem>>
      %dma_start3A_127 = arith.constant 0 : i32
      %dma_start3A_128 = tpu.memref_slice %arg7[%arg0, %mul3A_2, %dma_start3A_127] : memref<2x10240x128xf32, #tpu.memory_space<hbm>> -> memref<1x640x128xf32, #tpu.memory_space<hbm>>
      %dma_start3A_129 = tpu.memref_squeeze %dma_start3A_128 : memref<1x640x128xf32, #tpu.memory_space<hbm>> -> memref<640x128xf32, #tpu.memory_space<hbm>>
      %dma_start3A_130 = arith.constant 0 : i32
      %dma_start3A_131 = tpu.memref_slice %arg14[%mul3A_2, %dma_start3A_130] : memref<10240x128xf32, #tpu.memory_space<vmem_shared>> -> memref<640x128xf32, #tpu.memory_space<vmem_shared>>
      tpu.enqueue_dma source(%dma_start3A_131 : memref<640x128xf32, #tpu.memory_space<vmem_shared>>) target(%dma_start3A_129 : memref<640x128xf32, #tpu.memory_space<hbm>>) target_semaphore(%run_scoped3A_126 : memref<!tpu.dma_semaphore, #tpu.memory_space<semaphore_mem>>)
      %dma_wait3A_132 = arith.constant 0 : i32
      %dma_wait3A_133 = tpu.memref_slice %arg7[%arg0, %mul3A_2, %dma_wait3A_132] : memref<2x10240x128xf32, #tpu.memory_space<hbm>> -> memref<1x640x128xf32, #tpu.memory_space<hbm>>
      %dma_wait3A_134 = tpu.memref_squeeze %dma_wait3A_133 : memref<1x640x128xf32, #tpu.memory_space<hbm>> -> memref<640x128xf32, #tpu.memory_space<hbm>>
      %dma_wait3A_135 = arith.constant 0 : i32
      %dma_wait3A_136 = tpu.memref_slice %arg14[%mul3A_2, %dma_wait3A_135] : memref<10240x128xf32, #tpu.memory_space<vmem_shared>> -> memref<640x128xf32, #tpu.memory_space<vmem_shared>>
      tpu.wait_dma2 semaphore(%run_scoped3A_126 : memref<!tpu.dma_semaphore, #tpu.memory_space<semaphore_mem>>) src(%dma_wait3A_136 : memref<640x128xf32, #tpu.memory_space<vmem_shared>>) dst(%dma_wait3A_134 : memref<640x128xf32, #tpu.memory_space<hbm>>)
      tpu.yield
    }) : () -> ()
    return
  }
}

module attributes {stable_mosaic.version = 14 : i64} {
  func.func @_tc_layer_body(%arg0: i32, %arg1: memref<5000x128xf32, #tpu.memory_space<vmem>>, %arg2: memref<2x5000x128xf32, #tpu.memory_space<vmem>>, %arg3: memref<5000x1xf32, #tpu.memory_space<vmem>>, %arg4: memref<128x128xf32, #tpu.memory_space<vmem>>, %arg5: memref<128x128xf32, #tpu.memory_space<vmem>>, %arg6: memref<5000x128xf32, #tpu.memory_space<vmem>>) attributes {dimension_semantics = [#tpu.dimension_semantics<arbitrary>], iteration_bounds = array<i64: 2>, scalar_prefetch = 0 : i64, scratch_operands = 0 : i64, tpu.core_type = #tpu.core_type<tc>, window_params = [{transform_indices = @transform_0, window_bounds = array<i64: 5000, 128>}, {transform_indices = @transform_1, window_bounds = array<i64: 2, 5000, 128>}, {transform_indices = @transform_2, window_bounds = array<i64: 5000, 1>}, {pipeline_mode = #tpu.pipeline_mode<synchronous>, transform_indices = @transform_3, window_bounds = array<i64: 128, 128>}, {pipeline_mode = #tpu.pipeline_mode<synchronous>, transform_indices = @transform_4, window_bounds = array<i64: 128, 128>}, {transform_indices = @transform_5, window_bounds = array<i64: 5000, 128>}]} {
    %get3A = arith.constant 0 : index
    %get3A_0 = arith.constant 0 : index
    %get3A_1 = arith.constant 0 : index
    %get3A_2 = vector.load %arg2[%get3A, %get3A_0, %get3A_1] : memref<2x5000x128xf32, #tpu.memory_space<vmem>>, vector<1x5000x128xf32>
    %get3A_3 = vector.shape_cast %get3A_2 : vector<1x5000x128xf32> to vector<5000x128xf32>
    %get3A_4 = arith.constant 1 : index
    %get3A_5 = arith.constant 0 : index
    %get3A_6 = arith.constant 0 : index
    %get3A_7 = vector.load %arg2[%get3A_4, %get3A_5, %get3A_6] : memref<2x5000x128xf32, #tpu.memory_space<vmem>>, vector<1x5000x128xf32>
    %get3A_8 = vector.shape_cast %get3A_7 : vector<1x5000x128xf32> to vector<5000x128xf32>
    %add3A = arith.addf %get3A_3, %get3A_8 : vector<5000x128xf32>
    %get3A_9 = arith.constant 0 : index
    %get3A_10 = arith.constant 0 : index
    %get3A_11 = vector.load %arg3[%get3A_9, %get3A_10] : memref<5000x1xf32, #tpu.memory_space<vmem>>, vector<5000x1xf32>
    %mul3A = vector.broadcast %get3A_11 : vector<5000x1xf32> to vector<5000x128xf32>
    %mul3A_12 = arith.mulf %add3A, %mul3A : vector<5000x128xf32>
    %get3A_13 = arith.constant 0 : index
    %get3A_14 = arith.constant 0 : index
    %get3A_15 = vector.load %arg1[%get3A_13, %get3A_14] : memref<5000x128xf32, #tpu.memory_space<vmem>>, vector<5000x128xf32>
    %get3A_16 = arith.constant 0 : index
    %get3A_17 = arith.constant 0 : index
    %get3A_18 = vector.load %arg4[%get3A_16, %get3A_17] : memref<128x128xf32, #tpu.memory_space<vmem>>, vector<128x128xf32>
    %dot_general3A = arith.constant dense<0.000000e+00> : vector<5000x128xf32>
    %dot_general3A_19 = tpu.matmul %get3A_15, %get3A_18, %dot_general3A {dimension_numbers = #tpu.dot_dimension_numbers<[1], [0], [0], [1], [0, 0, 1, 1], [], []>, transpose_lhs_hint = false} : vector<5000x128xf32>, vector<128x128xf32>, vector<5000x128xf32> -> vector<5000x128xf32>
    %get3A_20 = arith.constant 0 : index
    %get3A_21 = arith.constant 0 : index
    %get3A_22 = vector.load %arg5[%get3A_20, %get3A_21] : memref<128x128xf32, #tpu.memory_space<vmem>>, vector<128x128xf32>
    %dot_general3A_23 = arith.constant dense<0.000000e+00> : vector<5000x128xf32>
    %dot_general3A_24 = tpu.matmul %mul3A_12, %get3A_22, %dot_general3A_23 {dimension_numbers = #tpu.dot_dimension_numbers<[1], [0], [0], [1], [0, 0, 1, 1], [], []>, transpose_lhs_hint = false} : vector<5000x128xf32>, vector<128x128xf32>, vector<5000x128xf32> -> vector<5000x128xf32>
    %add3A_25 = arith.addf %dot_general3A_19, %dot_general3A_24 : vector<5000x128xf32>
    %max3A = arith.constant 0.000000e+00 : f32
    %max3A_26 = vector.broadcast %max3A : f32 to vector<5000x128xf32>
    %max3A_27 = arith.maximumf %add3A_25, %max3A_26 : vector<5000x128xf32>
    %mul3A_28 = arith.mulf %max3A_27, %max3A_27 : vector<5000x128xf32>
    %reduce_sum3A = arith.constant dense<0.000000e+00> : vector<5000xf32>
    %reduce_sum3A_29 = vector.multi_reduction <add>, %mul3A_28, %reduce_sum3A [1] : vector<5000x128xf32> to vector<5000xf32>
    %broadcast_in_dim3A = vector.shape_cast %reduce_sum3A_29 : vector<5000xf32> to vector<5000x1xf32>
    %max3A_30 = arith.constant 1.000000e-24 : f32
    %max3A_31 = vector.broadcast %max3A_30 : f32 to vector<5000x1xf32>
    %max3A_32 = arith.maximumf %broadcast_in_dim3A, %max3A_31 : vector<5000x1xf32>
    %rsqrt3A = math.rsqrt %max3A_32 : vector<5000x1xf32>
    %mul3A_33 = vector.broadcast %rsqrt3A : vector<5000x1xf32> to vector<5000x128xf32>
    %mul3A_34 = arith.mulf %max3A_27, %mul3A_33 : vector<5000x128xf32>
    %swap3A = arith.constant 0 : index
    %swap3A_35 = arith.constant 0 : index
    %swap3A_36 = vector.load %arg6[%swap3A, %swap3A_35] : memref<5000x128xf32, #tpu.memory_space<vmem>>, vector<5000x128xf32>
    tpu.vector_store %arg6[%swap3A, %swap3A_35], %mul3A_34 {strides = array<i32>} : memref<5000x128xf32, #tpu.memory_space<vmem>>, vector<5000x128xf32>,
    return
  }
  func.func @transform_0(%arg0: i32) -> (i32, i32) {
    %c0_i32 = arith.constant 0 : i32
    %c0_i32_0 = arith.constant 0 : i32
    return %arg0, %c0_i32 : i32, i32
  }
  func.func @transform_1(%arg0: i32) -> (i32, i32, i32) {
    %c0_i32 = arith.constant 0 : i32
    %c0_i32_0 = arith.constant 0 : i32
    %c0_i32_1 = arith.constant 0 : i32
    return %c0_i32, %arg0, %c0_i32_0 : i32, i32, i32
  }
  func.func @transform_2(%arg0: i32) -> (i32, i32) {
    %c0_i32 = arith.constant 0 : i32
    %c0_i32_0 = arith.constant 0 : i32
    return %arg0, %c0_i32 : i32, i32
  }
  func.func @transform_3(%arg0: i32) -> (i32, i32) {
    %c0_i32 = arith.constant 0 : i32
    %c0_i32_0 = arith.constant 0 : i32
    %c0_i32_1 = arith.constant 0 : i32
    return %c0_i32, %c0_i32_0 : i32, i32
  }
  func.func @transform_4(%arg0: i32) -> (i32, i32) {
    %c0_i32 = arith.constant 0 : i32
    %c0_i32_0 = arith.constant 0 : i32
    %c0_i32_1 = arith.constant 0 : i32
    return %c0_i32, %c0_i32_0 : i32, i32
  }
  func.func @transform_5(%arg0: i32) -> (i32, i32) {
    %c0_i32 = arith.constant 0 : i32
    %c0_i32_0 = arith.constant 0 : i32
    return %arg0, %c0_i32 : i32, i32
  }
}

module attributes {stable_mosaic.version = 14 : i64} {
  func.func @_tc_layer_body(%arg0: i32, %arg1: memref<5000x128xf32, #tpu.memory_space<vmem>>, %arg2: memref<2x5000x128xf32, #tpu.memory_space<vmem>>, %arg3: memref<5000x1xf32, #tpu.memory_space<vmem>>, %arg4: memref<128x128xf32, #tpu.memory_space<vmem>>, %arg5: memref<128x128xf32, #tpu.memory_space<vmem>>, %arg6: memref<5000x128xf32, #tpu.memory_space<vmem>>) attributes {dimension_semantics = [#tpu.dimension_semantics<arbitrary>], iteration_bounds = array<i64: 2>, scalar_prefetch = 0 : i64, scratch_operands = 0 : i64, tpu.core_type = #tpu.core_type<tc>, window_params = [{transform_indices = @transform_0, window_bounds = array<i64: 5000, 128>}, {transform_indices = @transform_1, window_bounds = array<i64: 2, 5000, 128>}, {transform_indices = @transform_2, window_bounds = array<i64: 5000, 1>}, {pipeline_mode = #tpu.pipeline_mode<synchronous>, transform_indices = @transform_3, window_bounds = array<i64: 128, 128>}, {pipeline_mode = #tpu.pipeline_mode<synchronous>, transform_indices = @transform_4, window_bounds = array<i64: 128, 128>}, {transform_indices = @transform_5, window_bounds = array<i64: 5000, 128>}]} {
    %get3A = arith.constant 0 : index
    %get3A_0 = arith.constant 0 : index
    %get3A_1 = arith.constant 0 : index
    %get3A_2 = vector.load %arg2[%get3A, %get3A_0, %get3A_1] : memref<2x5000x128xf32, #tpu.memory_space<vmem>>, vector<1x5000x128xf32>
    %get3A_3 = vector.shape_cast %get3A_2 : vector<1x5000x128xf32> to vector<5000x128xf32>
    %get3A_4 = arith.constant 1 : index
    %get3A_5 = arith.constant 0 : index
    %get3A_6 = arith.constant 0 : index
    %get3A_7 = vector.load %arg2[%get3A_4, %get3A_5, %get3A_6] : memref<2x5000x128xf32, #tpu.memory_space<vmem>>, vector<1x5000x128xf32>
    %get3A_8 = vector.shape_cast %get3A_7 : vector<1x5000x128xf32> to vector<5000x128xf32>
    %add3A = arith.addf %get3A_3, %get3A_8 : vector<5000x128xf32>
    %get3A_9 = arith.constant 0 : index
    %get3A_10 = arith.constant 0 : index
    %get3A_11 = vector.load %arg3[%get3A_9, %get3A_10] : memref<5000x1xf32, #tpu.memory_space<vmem>>, vector<5000x1xf32>
    %mul3A = vector.broadcast %get3A_11 : vector<5000x1xf32> to vector<5000x128xf32>
    %mul3A_12 = arith.mulf %add3A, %mul3A : vector<5000x128xf32>
    %get3A_13 = arith.constant 0 : index
    %get3A_14 = arith.constant 0 : index
    %get3A_15 = vector.load %arg1[%get3A_13, %get3A_14] : memref<5000x128xf32, #tpu.memory_space<vmem>>, vector<5000x128xf32>
    %get3A_16 = arith.constant 0 : index
    %get3A_17 = arith.constant 0 : index
    %get3A_18 = vector.load %arg4[%get3A_16, %get3A_17] : memref<128x128xf32, #tpu.memory_space<vmem>>, vector<128x128xf32>
    %dot_general3A = arith.constant dense<0.000000e+00> : vector<5000x128xf32>
    %dot_general3A_19 = tpu.matmul %get3A_15, %get3A_18, %dot_general3A {dimension_numbers = #tpu.dot_dimension_numbers<[1], [0], [0], [1], [0, 0, 1, 1], [], []>, transpose_lhs_hint = false} : vector<5000x128xf32>, vector<128x128xf32>, vector<5000x128xf32> -> vector<5000x128xf32>
    %get3A_20 = arith.constant 0 : index
    %get3A_21 = arith.constant 0 : index
    %get3A_22 = vector.load %arg5[%get3A_20, %get3A_21] : memref<128x128xf32, #tpu.memory_space<vmem>>, vector<128x128xf32>
    %dot_general3A_23 = arith.constant dense<0.000000e+00> : vector<5000x128xf32>
    %dot_general3A_24 = tpu.matmul %mul3A_12, %get3A_22, %dot_general3A_23 {dimension_numbers = #tpu.dot_dimension_numbers<[1], [0], [0], [1], [0, 0, 1, 1], [], []>, transpose_lhs_hint = false} : vector<5000x128xf32>, vector<128x128xf32>, vector<5000x128xf32> -> vector<5000x128xf32>
    %add3A_25 = arith.addf %dot_general3A_19, %dot_general3A_24 : vector<5000x128xf32>
    %max3A = arith.constant 0.000000e+00 : f32
    %max3A_26 = vector.broadcast %max3A : f32 to vector<5000x128xf32>
    %max3A_27 = arith.maximumf %add3A_25, %max3A_26 : vector<5000x128xf32>
    %mul3A_28 = arith.mulf %max3A_27, %max3A_27 : vector<5000x128xf32>
    %reduce_sum3A = arith.constant dense<0.000000e+00> : vector<5000xf32>
    %reduce_sum3A_29 = vector.multi_reduction <add>, %mul3A_28, %reduce_sum3A [1] : vector<5000x128xf32> to vector<5000xf32>
    %broadcast_in_dim3A = vector.shape_cast %reduce_sum3A_29 : vector<5000xf32> to vector<5000x1xf32>
    %max3A_30 = arith.constant 1.000000e-24 : f32
    %max3A_31 = vector.broadcast %max3A_30 : f32 to vector<5000x1xf32>
    %max3A_32 = arith.maximumf %broadcast_in_dim3A, %max3A_31 : vector<5000x1xf32>
    %rsqrt3A = math.rsqrt %max3A_32 : vector<5000x1xf32>
    %mul3A_33 = vector.broadcast %rsqrt3A : vector<5000x1xf32> to vector<5000x128xf32>
    %mul3A_34 = arith.mulf %max3A_27, %mul3A_33 : vector<5000x128xf32>
    %swap3A = arith.constant 0 : index
    %swap3A_35 = arith.constant 0 : index
    %swap3A_36 = vector.load %arg6[%swap3A, %swap3A_35] : memref<5000x128xf32, #tpu.memory_space<vmem>>, vector<5000x128xf32>
    tpu.vector_store %arg6[%swap3A, %swap3A_35], %mul3A_34 {strides = array<i32>} : memref<5000x128xf32, #tpu.memory_space<vmem>>, vector<5000x128xf32>,
    return
  }
  func.func @transform_0(%arg0: i32) -> (i32, i32) {
    %c0_i32 = arith.constant 0 : i32
    %c0_i32_0 = arith.constant 0 : i32
    return %arg0, %c0_i32 : i32, i32
  }
  func.func @transform_1(%arg0: i32) -> (i32, i32, i32) {
    %c0_i32 = arith.constant 0 : i32
    %c0_i32_0 = arith.constant 0 : i32
    %c0_i32_1 = arith.constant 0 : i32
    return %c0_i32, %arg0, %c0_i32_0 : i32, i32, i32
  }
  func.func @transform_2(%arg0: i32) -> (i32, i32) {
    %c0_i32 = arith.constant 0 : i32
    %c0_i32_0 = arith.constant 0 : i32
    return %arg0, %c0_i32 : i32, i32
  }
  func.func @transform_3(%arg0: i32) -> (i32, i32) {
    %c0_i32 = arith.constant 0 : i32
    %c0_i32_0 = arith.constant 0 : i32
    %c0_i32_1 = arith.constant 0 : i32
    return %c0_i32, %c0_i32_0 : i32, i32
  }
  func.func @transform_4(%arg0: i32) -> (i32, i32) {
    %c0_i32 = arith.constant 0 : i32
    %c0_i32_0 = arith.constant 0 : i32
    %c0_i32_1 = arith.constant 0 : i32
    return %c0_i32, %c0_i32_0 : i32, i32
  }
  func.func @transform_5(%arg0: i32) -> (i32, i32) {
    %c0_i32 = arith.constant 0 : i32
    %c0_i32_0 = arith.constant 0 : i32
    return %arg0, %c0_i32 : i32, i32
  }
}

</mosaic_0001>

<sc_bundles>
// kernel: sc_sage_agg.3.cloned.1.call-start
scs
__scs_entry_jumppad:
0x0: {  	(pc) =	sbr.rel $0x88, $3  }
0x1: {  	(tag) =	ssettag $0x0;
	lr =	simm.s32 $0x1  }
0x2: {  	[smem:$0x3F9D] =	sst lr;
	_ =	strace $0xD0000000  }
0x3: {  	_ = 	snop  }
0x4: {  	_ = 	snop  }
0x5: {  	_ = 	snop  }
0x6: {  	_ = 	snop  }
0x7: {  	_ = 	snop  }
__scs_overlays_trampoline_lowered:
0x8: {  	[smem:$0x3FAC] =	sst s0  }
0x9: {  	[smem:$0x3FAD] =	sst s1  }
0xa: {  	[smem:$0x3FAE] =	sst s2  }
0xb: {  	[smem:$0x3FAF] =	sst s3  }
0xc: {  	[smem:$0x3FB0] =	sst s4  }
0xd: {  	[smem:$0x3FB1] =	sst s5  }
0xe: {  	[smem:$0x3FB2] =	sst s6  }
0xf: {  	[smem:$0x3FB3] =	sst s7  }
0x10: {  	[smem:$0x3FB4] =	sst s8  }
0x11: {  	[smem:$0x3FB5] =	sst s9;
	s0 =	simm.s32 @!p0 $0x0  }
0x12: {  	s1 =	sld [smem:$0x3F9B];
	s0 =	simm.s32 @p0 $0x1  }
0x13: {  	[smem:$0x3FB6] =	sst s0;
	s0 =	simm.s32 @!p1 $0x0  }
0x14: {  	s2 =	sld [smem:$0x3F9A];
	s0 =	simm.s32 @p1 $0x1  }
0x15: {  	[smem:$0x3FB7] =	sst s0;
	s0 =	simm.s32 @!p2 $0x0  }
0x16: {  	s3 =	sld [smem:$0x3FDB];
	s0 =	simm.s32 @p2 $0x1  }
0x17: {  	s4 =	simm.s32 $0x1BF5;
	[smem:$0x3FB9] =	sst s0  }
0x18: {  	s0 =	sld [smem:$0x3F9C];
	_ =	swait.ge [sflag:s4], $0x0  }
0x19: {  	s7 =	sld [smem:$0x3F9D]  }
0x1a: {  	s8 =	sadd.s32 $0xFFFFE003, lr  }
0x1b: {  	s9 =	sadd.s32 $0xFFFFFEF7, lr;
	s5 =	simm.s32 $0xFFFFFFFF;
	p2 =	slt.u32 s8, $0xFFFFF086  }
0x1c: {  	p1 =	slt.u32 s9, $0xF7A;
	s5 =	simm.s32 @!p2 $0x0  }
0x1d: {  	s5 =	simm.s32 @p1 $0x1;
	p0 =	seq.s32 s7, s2  }
0x1e: {  	s7 =	smul.u32 @!p0 $0xF7A, s2;
	p2 =	seq.s32 @!p0 s5, $0x0  }
0x1f: {  	s9 =	smul.u32 $0xF7A, s1;
	s8 =	simm.s32 @!p0 $0x1BF5;
	p2 =	por !p2, p0  }
0x20: {  	[sflag:s8] =	ssyncset.s32 @!p0 $0xFFFFF086;
	s6 =	sadd.s32 @!p0 s3, s7;
	s7 =	simm.s32 @!p0 $0x108  }
0x21: {  	s3 =	sadd.s32 s3, s9;
	s6 =	sadd.s32 @!p0 $0x88, s6;
	s7 =	simm.s32 @p2 $0x1082  }
0x22: {  	[simem:s7], [sflag:s8] =	dma.local @!p0 [hbm:s6], $0xF7A  }
0x23: {  	s9 =	sor.u32 $0xD0000000, s2;
	s6 =	simm.s32 $0x108;
	_ =	swait.ge @!p0 [sflag:s8], $0x0  }
0x24: {  	s3 =	sadd.s32 $0x88, s3;
	s6 =	simm.s32 @!p1 $0x1082;
	[sflag:s4] =	ssyncset.s32 $0xFFFFF086  }
0x25: {  	[simem:s6], [sflag:s4] =	dma.local [hbm:s3], $0xF7A  }
0x26: {  	[smem:$0x3F9D] =	sst s1;
	(tag) =	ssettag s2;
	_ =	strace s9  }
0x27: {  	s1 =	sld [smem:$0x3FAD]  }
0x28: {  	s2 =	sld [smem:$0x3FAE]  }
0x29: {  	s4 =	sld [smem:$0x3FB0]  }
0x2a: {  	p0 =	seq.s32 s5, $0x0;
	s5 =	sld [smem:$0x3FB1]  }
0x2b: {  	s6 =	sld [smem:$0x3FB2]  }
0x2c: {  	s7 =	sld [smem:$0x3FB3]  }
0x2d: {  	s3 =	simm.s32 $0x108;
	s8 =	sld [smem:$0x3FB4]  }
0x2e: {  	s3 =	simm.s32 @!p0 $0x1082;
	s9 =	sld [smem:$0x3FB5]  }
0x2f: {  	lr =	sadd.s32 s0, s3;
	s0 =	sld [smem:$0x3FAC]  }
0x30: {  	s3 =	sld [smem:$0x3FAF]  }
0x31: {  	[smem:$0x3FB8] =	sst s10  }
0x32: {  	s10 =	sld [smem:$0x3FB6];
	_ =	sdelay $0x3  }
0x33: {  	p0 =	seq.s32 s10, $0x1;
	s10 =	sld [smem:$0x3FB8];
	_ =	sdelay $0x3  }
0x34: {  	[smem:$0x3FB8] =	sst s10  }
0x35: {  	s10 =	sld [smem:$0x3FB7];
	_ =	sdelay $0x3  }
0x36: {  	p1 =	seq.s32 s10, $0x1;
	s10 =	sld [smem:$0x3FB8];
	_ =	sdelay $0x3  }
0x37: {  	[smem:$0x3FB8] =	sst s10  }
0x38: {  	s10 =	sld [smem:$0x3FB9]  }
0x39: {  	_ = 	snop;
	(pc) =	sbr.ind lr, $3  }
0x3a: {  	_ = 	snop  }
0x3b: {  	_ = 	snop  }
0x3c: {  	p2 =	seq.s32 s10, $0x1;
	s10 =	sld [smem:$0x3FB8]  }
0x3d: {  	_ =	shalt  }
0x3e: {  	_ =	shalt  }
0x3f: {  	_ =	shalt  }
0x40: {  	_ =	shalt  }
0x41: {  	_ =	shalt  }
0x42: {  	_ =	shalt  }
0x43: {  	_ =	shalt  }
0x44: {  	_ =	shalt  }
0x45: {  	_ =	shalt  }
0x46: {  	_ =	shalt  }
0x47: {  	_ =	shalt  }
0x48: {  	_ =	shalt  }
0x49: {  	_ =	shalt  }
0x4a: {  	_ =	shalt  }
0x4b: {  	_ =	shalt  }
0x4c: {  	_ =	shalt  }
0x4d: {  	_ =	shalt  }
0x4e: {  	_ =	shalt  }
0x4f: {  	_ =	shalt  }
0x50: {  	_ =	shalt  }
0x51: {  	_ =	shalt  }
0x52: {  	_ =	shalt  }
0x53: {  	_ =	shalt  }
0x54: {  	_ =	shalt  }
0x55: {  	_ =	shalt  }
0x56: {  	_ =	shalt  }
0x57: {  	_ =	shalt  }
0x58: {  	_ =	shalt  }
0x59: {  	_ =	shalt  }
0x5a: {  	_ =	shalt  }
0x5b: {  	_ =	shalt  }
0x5c: {  	_ =	shalt  }
0x5d: {  	_ =	shalt  }
0x5e: {  	_ =	shalt  }
0x5f: {  	_ =	shalt  }
0x60: {  	_ =	shalt  }
0x61: {  	_ =	shalt  }
0x62: {  	_ =	shalt  }
0x63: {  	_ =	shalt  }
0x64: {  	_ =	shalt  }
0x65: {  	_ =	shalt  }
0x66: {  	_ =	shalt  }
0x67: {  	_ =	shalt  }
0x68: {  	_ =	shalt  }
0x69: {  	_ =	shalt  }
0x6a: {  	_ =	shalt  }
0x6b: {  	_ =	shalt  }
0x6c: {  	_ =	shalt  }
0x6d: {  	_ =	shalt  }
0x6e: {  	_ =	shalt  }
0x6f: {  	_ =	shalt  }
0x70: {  	_ =	shalt  }
0x71: {  	_ =	shalt  }
0x72: {  	_ =	shalt  }
0x73: {  	_ =	shalt  }
0x74: {  	_ =	shalt  }
0x75: {  	_ =	shalt  }
0x76: {  	_ =	shalt  }
0x77: {  	_ =	shalt  }
0x78: {  	_ =	shalt  }
0x79: {  	_ =	shalt  }
0x7a: {  	_ =	shalt  }
0x7b: {  	_ =	shalt  }
0x7c: {  	_ =	shalt  }
0x7d: {  	_ =	shalt  }
0x7e: {  	_ =	shalt  }
0x7f: {  	_ =	shalt  }
0x80: {  	_ =	shalt  }
0x81: {  	_ =	shalt  }
0x82: {  	_ =	shalt  }
0x83: {  	_ =	shalt  }
0x84: {  	_ =	shalt  }
0x85: {  	_ =	shalt  }
0x86: {  	_ =	shalt  }
0x87: {  	_ =	shalt  }
.Lfunc_end0:
.L_simem_size_0:
called_computation.1_lowered:
.L_overlay_start_0:
0x88: {  	s2 =	sld [smem:$0x3FD9]  }
0x89: {  	s3 =	sld [smem:$0x3FFE];
	_ =	sdelay $0x1  }
0x8a: {  	s1 =	srdreg.scid  }
0x8b: {  	s0 =	sand.u32 $0x1, s1  }
0x8c: {  	s17 =	sshll.u32 s0, $0xA;
	s2 =	sadd.s32 s3, s2  }
0x8d: {  	s2 =	sadd.s32 s2, s17  }
0x8e: {  	[smem:$0x3FC4] =	sst s2  }
0x8f: {  	_ = 	snop  }
0x90: {  	s2 =	sld [smem:$0x3FD0];
	(tm) =	ssettm $0x1  }
0x91: {  	s18 =	sld [smem:$0x3FFB];
	_ =	sdelay $0x3  }
0x92: {  	_ =	strace s18  }
0x93: {  	s3 =	sld [smem:$0x3FFC];
	_ =	sdelay $0x3  }
0x94: {  	_ =	strace s3  }
0x95: {  	s3 =	sld [smem:$0x3FFD];
	_ =	sdelay $0x3  }
0x96: {  	_ =	strace s3  }
0x97: {  	_ =	strace $0x8FFFFFFF  }
0x98: {  	s19 =	sld [smem:$0x3FDB];
	_ =	sdelay $0x1  }
0x99: {  	s4 =	simm.s32 $_scs_section_size  }
0x9a: {  	s5 =	simm.s32 $_size__tile_overlayer_lowered;
	s6 =	simm.s32 $_tile_overlayer_lowered  }
0x9b: {  	s22 =	simm.s32 $0x1BFF;
	s21 =	sshll.u32 s6, $0x1;
	s3 =	sadd.s32 s4, s19  }
0x9c: {  	s7 =	simm.s32 $0x0;
	s20 =	sshll.u32 s5, $0x1;
	s5 =	sadd.s32 s21, s3  }
0x9d: {  	[timem:s7], [sflag:s22] =	dma.local [hbm:s5], s20  }
0x9e: {  	_ =	swait.ge [sflag:s22], s20  }
0x9f: {  	s4 =	ssub.s32 $0x0, s20;
	[sflag:s22] =	ssyncset.done $0x0  }
0xa0: {  	[sflag:s22] =	ssyncadd.s32 s4;
	_ =	sdelay $0x1  }
0xa1: {  	s23 =	simm.s32 $0x1B8B  }
0xa2: {  	_ =	swait.ge [sflag:s23], $0x1  }
0xa3: {  	[sflag:s23] =	ssyncset.done $0x0  }
0xa4: {  	s25 =	simm.s32 $0x1B8E;
	s24 =	sld [smem:$0x3FFE];
	[sflag:s23] =	ssyncadd.s32 $0xFFFFFFFF  }
0xa5: {  	s26 =	simm.s32 $execute0_lowered;
	[smem:$0x3FD2] =	sst s25  }
0xa6: {  	s5 =	sshll.u32 s26, $0x1;
	_ =	strace $0x80000049;
	[dreg:$0x1] =	wrdreg $0xFFFFFFFF  }
0xa7: {  	s28 =	simm.s32 $_size_execute0_lowered;
	s3 =	sadd.s32 s3, s5;
	[dreg:$0x0] =	wrdreg $0x0  }
0xa8: {  	s5 =	sshll.u32 s28, $0x1;
	[dreg:$0x2] =	wrdreg s3  }
0xa9: {  	[dreg:$0x3] =	wrdreg s5  }
0xaa: {  	[dreg:$0x4] =	wrdreg $0xC0  }
0xab: {  	_ =	task [dreg:s7], $0x5FFFF  }
0xac: {  	[dreg:$0x1] =	wrdreg $0xFFFFFFFF  }
0xad: {  	[dreg:$0x0] =	wrdreg $0x60  }
0xae: {  	[dreg:$0x2] =	wrdreg s2  }
0xaf: {  	[dreg:$0x3] =	wrdreg s24  }
0xb0: {  	[dreg:$0x4] =	wrdreg $0xA8000  }
0xb1: {  	[dreg:$0x5] =	wrdreg $0x9  }
0xb2: {  	_ =	task.clear_ibuf [dreg:s7], $0x6FFFF;
	_ =	strace $0x90000049  }
0xb3: {  	s29 =	simm.s32 $0x9;
	_ =	strace $0x8000004B  }
0xb4: {  	_ =	swait.ge [sflag:s29], $0x1  }
0xb5: {  	[sflag:s29] =	ssyncadd.s32 $0xFFFFFFFF  }
0xb6: {  	_ =	strace $0x9000004B  }
0xb7: {  	_ =	sfence  }
0xb8: {  	s30 =	sld [smem:$0x0];
	_ =	sdelay $0x2  }
0xb9: {  	s31 =	sshll.u32 s1, $0xD;
	s1 =	sshrl.u32 s1, $0x2  }
0xba: {  	s3 =	sand.u32 $0x4000, s31;
	s1 =	sadd.s32 s1, s30  }
0xbb: {  	s0 =	sor.u32 s3, s0;
	s1 =	sshll.u32 s1, $0x11  }
0xbc: {  	s0 =	sor.u32 s1, s0  }
0xbd: {  	s0 =	sadd.s32 $0x8F2B, s0  }
0xbe: {  	[sflag:s0] =	ssyncadd.remote.s32 $0x1  }
0xbf: {  	_ =	sfence.sel $0xFFFF  }
0xc0: {  	[dreg:$0x0] =	wrdreg $0xFFFFFFFF;
	(pc) =	sbr.abs _section_cstart, $3  }
0xc1: {  	[dreg:$0x1] =	wrdreg $0xFFFFFFFF  }
0xc2: {  	_ =	task.clear_ibuf [dreg:s7], $0x2FFFF;
	_ =	strace $0x9FFFFFFF  }
0xc3: {  	(tm) =	ssettm $0x7FFFFFFF  }
tec
execute0_lowered:
.L_overlay_start_1:
0x0: {  	(tag) =	ssettag $0x1  }
0x1: {  	s1 =	rddreg [dreg:$0x0]  }
0x2: {  	s5 =	rddreg [dreg:$0x1]  }
0x3: {  	s3 =	rddreg [dreg:$0x2]  }
0x4: {  	s0 =	rddreg [dreg:$0x3];
	s4 =	simm.s32 $0x0  }
0x5: {  	s2 =	stileid.u32;
	s6 =	srdreg.scid;
	s15 =	simm.s32 $0x2800  }
0x6: {  	s16 =	simm.s32 $0x80;
	s17 =	simm.s32 $0x6800;
	s20 =	simm.s32 $0x1  }
0x7: {  	s21 =	simm.s32 $0x2;
	s22 =	simm.s32 $0x3;
	s23 =	simm.s32 $0x4  }
0x8: {  	s24 =	simm.s32 $0x2700;
	[smem:$0x7FF] =	sst s4;
	s7 =	smul.u32 $0x14000, s2  }
0x9: {  	s6 =	sand.u32 $0x1, s6;
	s8 =	sadd.s32 $0x1E00, s5;
	s11 =	sadd.s32 $0xBE00, s5  }
0xa: {  	s26 =	smul.u32 $0x50000, s2;
	s18 =	sshll.u32 s2, $0x6;
	_ =	strace $0x8000004A  }
0xb: {  	s9 =	smul.u32 $0x140000, s6;
	s10 =	sshll.u32 s6, $0x4;
	s6 =	ssub.s32 $0x2, s6  }
0xc: {  	s18 =	sor.u32 $0x1C05, s18;
	s12 =	sshrl.u32 s7, $0x3;
	s10 =	sor.u32 s2, s10  }
0xd: {  	s28 =	sshrl.u32 s6, $0x1;
	s30 =	sshrl.u32 s26, $0x2;
	s26 =	simm.s32 $0x0  }
0xe: {  	s12 =	sadd.s32 s12, s5;
	s7 =	sadd.s32 s7, s9;
	s25 =	smul.u32 $0x2800, s10  }
0xf: {  	s14 =	ssub.s32 s6, s28;
	s19 =	sadd.s32 s30, s3;
	s7 =	sshrl.u32 s7, $0x3  }
0x10: {  	s19 =	sshrl.u32 s19, $0x3;
	s13 =	sadd.s32 s7, s5;
	s29 =	sshrl.u32 s25, $0x3  }
0x11: {  	s7 =	sadd.s32 $0x15E00, s12;
	s12 =	simm.s32 $0x5;
	s25 =	simm.s32 $0x2780  }
0x12: {  	s5 =	sadd.s32 s8, s29;
	s6 =	sadd.s32 s11, s29;
	s31 =	sadd.s32 $0x280, s29  }
0x13: {  	s10 =	sadd.s32 $0x3EE00, s13;
	s13 =	simm.s32 $0x1400;
	s8 =	sadd.s32 s8, s31  }
0x14: {  	s9 =	sadd.s32 s11, s31;
	s11 =	smax.u32 s14, $0x1;
	s14 =	simm.s32 $0x7D  }
.LBB2_1:
0x15: {  	[tilespmem:s4], [sflag:$0x5] =	stream.linear.gather [hbm4b:s5+s4], $0x1400, $0x38;
	[tilespmem:$0x1E800] =	vst v63  }
0x16: {  	_ =	swait.ge [sflag:s12], $0x1400  }
0x17: {  	[sflag:s12] =	ssyncset.done $0x0  }
0x18: {  	[sflag:s12] =	ssyncadd.s32 $0xFFFFEC00  }
0x19: {  	[tilespmem:s13], [sflag:$0x5] =	stream.linear.gather [hbm4b:s6+s4], $0x1400, $0x38;
	[tilespmem:$0x1E800] =	vst v63  }
0x1a: {  	_ =	swait.ge [sflag:s12], $0x1400  }
0x1b: {  	[sflag:s12] =	ssyncset.done $0x0  }
0x1c: {  	[sflag:s12] =	ssyncadd.s32 $0xFFFFEC00  }
0x1d: {  	[tilespmem:s15], [sflag:$0x1] =	stream.indirect.gather [hbm4b:s1+s14], $0x80, s4, s14, $0xb8;
	[tilespmem:$0x1E800] =	vst v63  }
0x1e: {  	_ = 	snop  }
0x1f: {  	[tilespmem:s17], [sflag:$0x2] =	stream.indirect.gather [hbm4b:s1+s14], $0x80, s16, s14, $0xb8;
	[tilespmem:$0x1E800] =	vst v63  }
0x20: {  	[spmem:s19], [sflag:s18] =	dma.local [hbm:s7], $0x2800  }
0x21: {  	_ =	swait.ge [sflag:s12], $0x2800  }
0x22: {  	[sflag:s12] =	ssyncset.done $0x0  }
0x23: {  	[sflag:s12] =	ssyncadd.s32 $0xFFFFD800  }
0x24: {  	[bflag:$0x0] =	sbarrier.arrive $0xFFFF  }
0x25: {  	_ =	swait.ge [sflag:s20], $0x3E80  }
0x26: {  	[sflag:s20] =	ssyncset.done $0x0  }
0x27: {  	s28 =	simm.s32 $0x1400;
	[sflag:s20] =	ssyncadd.s32 $0xFFFFC180  }
0x28: {  	[spmem:s3] =	stream.indirect.scatter.add.f32 [tilespmem:s15], [sflag:$0x3], $0x80, s28, s14, $0xb8;
	[tilespmem:$0x1E800] =	vst v63  }
0x29: {  	_ =	swait.ge [sflag:s21], $0x3E80  }
0x2a: {  	[sflag:s21] =	ssyncset.done $0x0  }
0x2b: {  	[sflag:s21] =	ssyncadd.s32 $0xFFFFC180  }
0x2c: {  	_ =	swait.ge [sflag:s22], $0x3E80  }
0x2d: {  	[sflag:s22] =	ssyncset.done $0x0  }
0x2e: {  	s28 =	simm.s32 $0x100;
	[sflag:s22] =	ssyncadd.s32 $0xFFFFC180  }
0x2f: {  	[tilespmem:s15], [sflag:$0x1] =	stream.indirect.gather [hbm4b:s1+s14], $0x80, s28, s14, $0xb8;
	[tilespmem:$0x1E800] =	vst v63  }
0x30: {  	s28 =	simm.s32 $0x1480  }
0x31: {  	[spmem:s3] =	stream.indirect.scatter.add.f32 [tilespmem:s17], [sflag:$0x4], $0x80, s28, s14, $0xb8;
	[tilespmem:$0x1E800] =	vst v63  }
0x32: {  	_ =	swait.ge [sflag:s23], $0x3E80  }
0x33: {  	[sflag:s23] =	ssyncset.done $0x0  }
0x34: {  	s29 =	simm.s32 $0x180;
	s28 =	simm.s32 $0x400;
	[sflag:s23] =	ssyncadd.s32 $0xFFFFC180  }
.LBB2_2:
0x35: {  	[tilespmem:s17], [sflag:$0x2] =	stream.indirect.gather [hbm4b:s1+s14], $0x80, s29, s14, $0xb8;
	[tilespmem:$0x1E800] =	vst v63  }
0x36: {  	s29 =	smov.u32 s28  }
0x37: {  	p0 =	sne.s32 s28, $0x4800;
	s28 =	sadd.s32 $0x400, s28;
	_ =	swait.ge [sflag:s20], $0x3E80  }
0x38: {  	s29 =	sshra.s32 s29, $0x2;
	[sflag:s20] =	ssyncset.done $0x0  }
0x39: {  	s30 =	sadd.s32 $0x1400, s29;
	[sflag:s20] =	ssyncadd.s32 $0xFFFFC180  }
0x3a: {  	[spmem:s3] =	stream.indirect.scatter.add.f32 [tilespmem:s15], [sflag:$0x3], $0x80, s30, s14, $0xb8;
	[tilespmem:$0x1E800] =	vst v63  }
0x3b: {  	_ =	swait.ge [sflag:s21], $0x3E80  }
0x3c: {  	[sflag:s21] =	ssyncset.done $0x0  }
0x3d: {  	[sflag:s21] =	ssyncadd.s32 $0xFFFFC180  }
0x3e: {  	_ =	swait.ge [sflag:s22], $0x3E80  }
0x3f: {  	[sflag:s22] =	ssyncset.done $0x0  }
0x40: {  	s30 =	sadd.s32 $0x100, s29;
	[sflag:s22] =	ssyncadd.s32 $0xFFFFC180  }
0x41: {  	[tilespmem:s15], [sflag:$0x1] =	stream.indirect.gather [hbm4b:s1+s14], $0x80, s30, s14, $0xb8;
	[tilespmem:$0x1E800] =	vst v63  }
.Ltmp0:
0x42: {  	s30 =	sadd.s32 $0x1480, s29;
	(pc) =	sbr.rel @p0 .LBB2_2-.Ltmp0, $4  }
0x43: {  	[spmem:s3] =	stream.indirect.scatter.add.f32 [tilespmem:s17], [sflag:$0x4], $0x80, s30, s14, $0xb8;
	[tilespmem:$0x1E800] =	vst v63  }
0x44: {  	_ =	swait.ge [sflag:s23], $0x3E80  }
0x45: {  	[sflag:s23] =	ssyncset.done $0x0  }
0x46: {  	s29 =	sadd.s32 $0x180, s29;
	[sflag:s23] =	ssyncadd.s32 $0xFFFFC180  }
0x47: {  	[tilespmem:s17], [sflag:$0x2] =	stream.indirect.gather [hbm4b:s1+s14], $0x80, s29, s14, $0xb8;
	[tilespmem:$0x1E800] =	vst v63  }
0x48: {  	_ =	swait.ge [sflag:s20], $0x3E80  }
0x49: {  	[sflag:s20] =	ssyncset.done $0x0  }
0x4a: {  	[sflag:s20] =	ssyncadd.s32 $0xFFFFC180  }
0x4b: {  	[spmem:s3] =	stream.indirect.scatter.add.f32 [tilespmem:s15], [sflag:$0x3], $0x80, s24, s14, $0xb8;
	[tilespmem:$0x1E800] =	vst v63  }
0x4c: {  	_ =	swait.ge [sflag:s21], $0x3E80  }
0x4d: {  	[sflag:s21] =	ssyncset.done $0x0  }
0x4e: {  	[sflag:s21] =	ssyncadd.s32 $0xFFFFC180  }
0x4f: {  	_ =	swait.ge [sflag:s22], $0x3E80  }
0x50: {  	[sflag:s22] =	ssyncset.done $0x0  }
0x51: {  	[sflag:s22] =	ssyncadd.s32 $0xFFFFC180  }
0x52: {  	[spmem:s3] =	stream.indirect.scatter.add.f32 [tilespmem:s17], [sflag:$0x4], $0x80, s25, s14, $0xb8;
	[tilespmem:$0x1E800] =	vst v63  }
0x53: {  	_ =	swait.ge [sflag:s23], $0x3E80  }
0x54: {  	[sflag:s23] =	ssyncset.done $0x0  }
0x55: {  	s28 =	simm.s32 $0x0;
	[sflag:s23] =	ssyncadd.s32 $0xFFFFC180  }
0x56: {  	[tilespmem:s28], [sflag:$0x5] =	stream.linear.gather [hbm4b:s8+s28], $0x1400, $0x38;
	[tilespmem:$0x1E800] =	vst v63  }
0x57: {  	_ =	swait.ge [sflag:s12], $0x1400  }
0x58: {  	[sflag:s12] =	ssyncset.done $0x0  }
0x59: {  	[sflag:s12] =	ssyncadd.s32 $0xFFFFEC00  }
0x5a: {  	[tilespmem:s13], [sflag:$0x5] =	stream.linear.gather [hbm4b:s9+s28], $0x1400, $0x38;
	[tilespmem:$0x1E800] =	vst v63  }
0x5b: {  	_ =	swait.ge [sflag:s12], $0x1400  }
0x5c: {  	[sflag:s12] =	ssyncset.done $0x0  }
0x5d: {  	[sflag:s12] =	ssyncadd.s32 $0xFFFFEC00  }
0x5e: {  	[tilespmem:s15], [sflag:$0x1] =	stream.indirect.gather [hbm4b:s1+s14], $0x80, s28, s14, $0xb8;
	[tilespmem:$0x1E800] =	vst v63  }
0x5f: {  	_ = 	snop  }
0x60: {  	[tilespmem:s17], [sflag:$0x2] =	stream.indirect.gather [hbm4b:s1+s14], $0x80, s16, s14, $0xb8;
	[tilespmem:$0x1E800] =	vst v63  }
0x61: {  	_ =	swait.ge [sflag:s20], $0x3E80  }
0x62: {  	[sflag:s20] =	ssyncset.done $0x0  }
0x63: {  	s28 =	simm.s32 $0x1400;
	[sflag:s20] =	ssyncadd.s32 $0xFFFFC180  }
0x64: {  	[spmem:s3] =	stream.indirect.scatter.add.f32 [tilespmem:s15], [sflag:$0x3], $0x80, s28, s14, $0xb8;
	[tilespmem:$0x1E800] =	vst v63  }
0x65: {  	_ =	swait.ge [sflag:s21], $0x3E80  }
0x66: {  	[sflag:s21] =	ssyncset.done $0x0  }
0x67: {  	[sflag:s21] =	ssyncadd.s32 $0xFFFFC180  }
0x68: {  	_ =	swait.ge [sflag:s22], $0x3E80  }
0x69: {  	[sflag:s22] =	ssyncset.done $0x0  }
0x6a: {  	s28 =	simm.s32 $0x100;
	[sflag:s22] =	ssyncadd.s32 $0xFFFFC180  }
0x6b: {  	[tilespmem:s15], [sflag:$0x1] =	stream.indirect.gather [hbm4b:s1+s14], $0x80, s28, s14, $0xb8;
	[tilespmem:$0x1E800] =	vst v63  }
0x6c: {  	s28 =	simm.s32 $0x1480  }
0x6d: {  	[spmem:s3] =	stream.indirect.scatter.add.f32 [tilespmem:s17], [sflag:$0x4], $0x80, s28, s14, $0xb8;
	[tilespmem:$0x1E800] =	vst v63  }
0x6e: {  	_ =	swait.ge [sflag:s23], $0x3E80  }
0x6f: {  	[sflag:s23] =	ssyncset.done $0x0  }
0x70: {  	s29 =	simm.s32 $0x180;
	s28 =	simm.s32 $0x400;
	[sflag:s23] =	ssyncadd.s32 $0xFFFFC180  }
.LBB2_4:
0x71: {  	[tilespmem:s17], [sflag:$0x2] =	stream.indirect.gather [hbm4b:s1+s14], $0x80, s29, s14, $0xb8;
	[tilespmem:$0x1E800] =	vst v63  }
0x72: {  	s29 =	smov.u32 s28  }
0x73: {  	p0 =	sne.s32 s28, $0x4800;
	s28 =	sadd.s32 $0x400, s28;
	_ =	swait.ge [sflag:s20], $0x3E80  }
0x74: {  	s29 =	sshra.s32 s29, $0x2;
	[sflag:s20] =	ssyncset.done $0x0  }
0x75: {  	s30 =	sadd.s32 $0x1400, s29;
	[sflag:s20] =	ssyncadd.s32 $0xFFFFC180  }
0x76: {  	[spmem:s3] =	stream.indirect.scatter.add.f32 [tilespmem:s15], [sflag:$0x3], $0x80, s30, s14, $0xb8;
	[tilespmem:$0x1E800] =	vst v63  }
0x77: {  	_ =	swait.ge [sflag:s21], $0x3E80  }
0x78: {  	[sflag:s21] =	ssyncset.done $0x0  }
0x79: {  	[sflag:s21] =	ssyncadd.s32 $0xFFFFC180  }
0x7a: {  	_ =	swait.ge [sflag:s22], $0x3E80  }
0x7b: {  	[sflag:s22] =	ssyncset.done $0x0  }
0x7c: {  	s30 =	sadd.s32 $0x100, s29;
	[sflag:s22] =	ssyncadd.s32 $0xFFFFC180  }
0x7d: {  	[tilespmem:s15], [sflag:$0x1] =	stream.indirect.gather [hbm4b:s1+s14], $0x80, s30, s14, $0xb8;
	[tilespmem:$0x1E800] =	vst v63  }
.Ltmp1:
0x7e: {  	s30 =	sadd.s32 $0x1480, s29;
	(pc) =	sbr.rel @p0 .LBB2_4-.Ltmp1, $4  }
0x7f: {  	[spmem:s3] =	stream.indirect.scatter.add.f32 [tilespmem:s17], [sflag:$0x4], $0x80, s30, s14, $0xb8;
	[tilespmem:$0x1E800] =	vst v63  }
0x80: {  	_ =	swait.ge [sflag:s23], $0x3E80  }
0x81: {  	[sflag:s23] =	ssyncset.done $0x0  }
0x82: {  	s29 =	sadd.s32 $0x180, s29;
	[sflag:s23] =	ssyncadd.s32 $0xFFFFC180  }
0x83: {  	[tilespmem:s17], [sflag:$0x2] =	stream.indirect.gather [hbm4b:s1+s14], $0x80, s29, s14, $0xb8;
	[tilespmem:$0x1E800] =	vst v63  }
0x84: {  	_ =	swait.ge [sflag:s20], $0x3E80  }
0x85: {  	[sflag:s20] =	ssyncset.done $0x0  }
0x86: {  	[sflag:s20] =	ssyncadd.s32 $0xFFFFC180  }
0x87: {  	[spmem:s3] =	stream.indirect.scatter.add.f32 [tilespmem:s15], [sflag:$0x3], $0x80, s24, s14, $0xb8;
	[tilespmem:$0x1E800] =	vst v63  }
0x88: {  	_ =	swait.ge [sflag:s21], $0x3E80  }
0x89: {  	[sflag:s21] =	ssyncset.done $0x0  }
0x8a: {  	[sflag:s21] =	ssyncadd.s32 $0xFFFFC180  }
0x8b: {  	_ =	swait.ge [sflag:s22], $0x3E80  }
0x8c: {  	[sflag:s22] =	ssyncset.done $0x0  }
0x8d: {  	[sflag:s22] =	ssyncadd.s32 $0xFFFFC180  }
0x8e: {  	[spmem:s3] =	stream.indirect.scatter.add.f32 [tilespmem:s17], [sflag:$0x4], $0x80, s25, s14, $0xb8;
	[tilespmem:$0x1E800] =	vst v63  }
0x8f: {  	_ =	swait.ge [sflag:s23], $0x3E80  }
0x90: {  	s26 =	sadd.s32 $0x1, s26;
	[sflag:s23] =	ssyncset.done $0x0  }
0x91: {  	p0 =	sne.s32 s26, s11;
	[sflag:s23] =	ssyncadd.s32 $0xFFFFC180  }
.Ltmp2:
0x92: {  	[bflag:$0x0] =	sbarrier.arrive $0xFFFF;
	(pc) =	sbr.rel @p0 .LBB2_1-.Ltmp2, $4  }
0x93: {  	[hbm:s10], [sflag:s18] =	dma.local [spmem:s19], $0x2800  }
0x94: {  	_ =	swait.ge [sflag:s12], $0x2800  }
0x95: {  	[sflag:s12] =	ssyncset.done $0x0  }
0x96: {  	[sflag:s12] =	ssyncadd.s32 $0xFFFFD800  }
0x97: {  	_ =	sfence.sel $0x180000  }
0x98: {  	[bflag:$0x0] =	sbarrier.arrive $0xFFFF  }
0x99: {  	p0 =	sne.s32 s2, $0x0;
	_ =	strace $0x9000004A  }
0x9a: {  	s0 =	sadd.s32 @!p0 $0x100000, s0;
	[bflag:$0x2] =	sbarrier.arrive $0xFFFF  }
0x9b: {  	[sflag:s0] =	ssyncadd.tile.s32 @!p0 $0x1;
	_ =	shalt  }
.Lfunc_end2:
_tile_overlayer_lowered:
.L_overlay_start_2:
0x9c: {  	(tag) =	ssettag $0x2  }
0x9d: {  	s0 =	rddreg [dreg:$0x0];
	s2 =	stileid.u32  }
0x9e: {  	s1 =	rddreg [dreg:$0x1];
	p0 =	sne.s32 s2, $0x0  }
0x9f: {  	s3 =	rddreg [dreg:$0x2];
	[bflag:$0x3] =	sbarrier.arrive $0xFFFF;
	s2 =	simm.s32 @!p0 $0x1C05  }
0xa0: {  	[timem:s3], [sflag:s2] =	dma.local @!p0 [hbm:s0], s1  }
0xa1: {  	s0 =	simm.s32 @!p0 $0x5  }
0xa2: {  	_ =	swait.ge @!p0 [sflag:s0], s1  }
0xa3: {  	s1 =	ssub.s32 @!p0 $0x0, s1;
	[sflag:s0] =	ssyncset.done @!p0 $0x0  }
0xa4: {  	[sflag:s0] =	ssyncadd.s32 @!p0 s1  }
0xa5: {  	[bflag:$0x3] =	sbarrier.arrive $0xFFFF  }
0xa6: {  	_ =	shalt  }

// kernel: sc_sage_agg_deg.3.cloned.1.call-start
scs
__scs_entry_jumppad:
0x0: {  	(pc) =	sbr.rel $0x88, $3  }
0x1: {  	(tag) =	ssettag $0x0;
	lr =	simm.s32 $0x1  }
0x2: {  	[smem:$0x3F9D] =	sst lr;
	_ =	strace $0xD0000000  }
0x3: {  	_ = 	snop  }
0x4: {  	_ = 	snop  }
0x5: {  	_ = 	snop  }
0x6: {  	_ = 	snop  }
0x7: {  	_ = 	snop  }
__scs_overlays_trampoline_lowered:
0x8: {  	[smem:$0x3FAC] =	sst s0  }
0x9: {  	[smem:$0x3FAD] =	sst s1  }
0xa: {  	[smem:$0x3FAE] =	sst s2  }
0xb: {  	[smem:$0x3FAF] =	sst s3  }
0xc: {  	[smem:$0x3FB0] =	sst s4  }
0xd: {  	[smem:$0x3FB1] =	sst s5  }
0xe: {  	[smem:$0x3FB2] =	sst s6  }
0xf: {  	[smem:$0x3FB3] =	sst s7  }
0x10: {  	[smem:$0x3FB4] =	sst s8  }
0x11: {  	[smem:$0x3FB5] =	sst s9;
	s0 =	simm.s32 @!p0 $0x0  }
0x12: {  	s1 =	sld [smem:$0x3F9B];
	s0 =	simm.s32 @p0 $0x1  }
0x13: {  	[smem:$0x3FB6] =	sst s0;
	s0 =	simm.s32 @!p1 $0x0  }
0x14: {  	s2 =	sld [smem:$0x3F9A];
	s0 =	simm.s32 @p1 $0x1  }
0x15: {  	[smem:$0x3FB7] =	sst s0;
	s0 =	simm.s32 @!p2 $0x0  }
0x16: {  	s3 =	sld [smem:$0x3FDB];
	s0 =	simm.s32 @p2 $0x1  }
0x17: {  	s4 =	simm.s32 $0x1BF5;
	[smem:$0x3FB9] =	sst s0  }
0x18: {  	s0 =	sld [smem:$0x3F9C];
	_ =	swait.ge [sflag:s4], $0x0  }
0x19: {  	s7 =	sld [smem:$0x3F9D]  }
0x1a: {  	s8 =	sadd.s32 $0xFFFFE003, lr  }
0x1b: {  	s9 =	sadd.s32 $0xFFFFFEF7, lr;
	s5 =	simm.s32 $0xFFFFFFFF;
	p2 =	slt.u32 s8, $0xFFFFF086  }
0x1c: {  	p1 =	slt.u32 s9, $0xF7A;
	s5 =	simm.s32 @!p2 $0x0  }
0x1d: {  	s5 =	simm.s32 @p1 $0x1;
	p0 =	seq.s32 s7, s2  }
0x1e: {  	s7 =	smul.u32 @!p0 $0xF7A, s2;
	p2 =	seq.s32 @!p0 s5, $0x0  }
0x1f: {  	s9 =	smul.u32 $0xF7A, s1;
	s8 =	simm.s32 @!p0 $0x1BF5;
	p2 =	por !p2, p0  }
0x20: {  	[sflag:s8] =	ssyncset.s32 @!p0 $0xFFFFF086;
	s6 =	sadd.s32 @!p0 s3, s7;
	s7 =	simm.s32 @!p0 $0x108  }
0x21: {  	s3 =	sadd.s32 s3, s9;
	s6 =	sadd.s32 @!p0 $0x88, s6;
	s7 =	simm.s32 @p2 $0x1082  }
0x22: {  	[simem:s7], [sflag:s8] =	dma.local @!p0 [hbm:s6], $0xF7A  }
0x23: {  	s9 =	sor.u32 $0xD0000000, s2;
	s6 =	simm.s32 $0x108;
	_ =	swait.ge @!p0 [sflag:s8], $0x0  }
0x24: {  	s3 =	sadd.s32 $0x88, s3;
	s6 =	simm.s32 @!p1 $0x1082;
	[sflag:s4] =	ssyncset.s32 $0xFFFFF086  }
0x25: {  	[simem:s6], [sflag:s4] =	dma.local [hbm:s3], $0xF7A  }
0x26: {  	[smem:$0x3F9D] =	sst s1;
	(tag) =	ssettag s2;
	_ =	strace s9  }
0x27: {  	s1 =	sld [smem:$0x3FAD]  }
0x28: {  	s2 =	sld [smem:$0x3FAE]  }
0x29: {  	s4 =	sld [smem:$0x3FB0]  }
0x2a: {  	p0 =	seq.s32 s5, $0x0;
	s5 =	sld [smem:$0x3FB1]  }
0x2b: {  	s6 =	sld [smem:$0x3FB2]  }
0x2c: {  	s7 =	sld [smem:$0x3FB3]  }
0x2d: {  	s3 =	simm.s32 $0x108;
	s8 =	sld [smem:$0x3FB4]  }
0x2e: {  	s3 =	simm.s32 @!p0 $0x1082;
	s9 =	sld [smem:$0x3FB5]  }
0x2f: {  	lr =	sadd.s32 s0, s3;
	s0 =	sld [smem:$0x3FAC]  }
0x30: {  	s3 =	sld [smem:$0x3FAF]  }
0x31: {  	[smem:$0x3FB8] =	sst s10  }
0x32: {  	s10 =	sld [smem:$0x3FB6];
	_ =	sdelay $0x3  }
0x33: {  	p0 =	seq.s32 s10, $0x1;
	s10 =	sld [smem:$0x3FB8];
	_ =	sdelay $0x3  }
0x34: {  	[smem:$0x3FB8] =	sst s10  }
0x35: {  	s10 =	sld [smem:$0x3FB7];
	_ =	sdelay $0x3  }
0x36: {  	p1 =	seq.s32 s10, $0x1;
	s10 =	sld [smem:$0x3FB8];
	_ =	sdelay $0x3  }
0x37: {  	[smem:$0x3FB8] =	sst s10  }
0x38: {  	s10 =	sld [smem:$0x3FB9]  }
0x39: {  	_ = 	snop;
	(pc) =	sbr.ind lr, $3  }
0x3a: {  	_ = 	snop  }
0x3b: {  	_ = 	snop  }
0x3c: {  	p2 =	seq.s32 s10, $0x1;
	s10 =	sld [smem:$0x3FB8]  }
0x3d: {  	_ =	shalt  }
0x3e: {  	_ =	shalt  }
0x3f: {  	_ =	shalt  }
0x40: {  	_ =	shalt  }
0x41: {  	_ =	shalt  }
0x42: {  	_ =	shalt  }
0x43: {  	_ =	shalt  }
0x44: {  	_ =	shalt  }
0x45: {  	_ =	shalt  }
0x46: {  	_ =	shalt  }
0x47: {  	_ =	shalt  }
0x48: {  	_ =	shalt  }
0x49: {  	_ =	shalt  }
0x4a: {  	_ =	shalt  }
0x4b: {  	_ =	shalt  }
0x4c: {  	_ =	shalt  }
0x4d: {  	_ =	shalt  }
0x4e: {  	_ =	shalt  }
0x4f: {  	_ =	shalt  }
0x50: {  	_ =	shalt  }
0x51: {  	_ =	shalt  }
0x52: {  	_ =	shalt  }
0x53: {  	_ =	shalt  }
0x54: {  	_ =	shalt  }
0x55: {  	_ =	shalt  }
0x56: {  	_ =	shalt  }
0x57: {  	_ =	shalt  }
0x58: {  	_ =	shalt  }
0x59: {  	_ =	shalt  }
0x5a: {  	_ =	shalt  }
0x5b: {  	_ =	shalt  }
0x5c: {  	_ =	shalt  }
0x5d: {  	_ =	shalt  }
0x5e: {  	_ =	shalt  }
0x5f: {  	_ =	shalt  }
0x60: {  	_ =	shalt  }
0x61: {  	_ =	shalt  }
0x62: {  	_ =	shalt  }
0x63: {  	_ =	shalt  }
0x64: {  	_ =	shalt  }
0x65: {  	_ =	shalt  }
0x66: {  	_ =	shalt  }
0x67: {  	_ =	shalt  }
0x68: {  	_ =	shalt  }
0x69: {  	_ =	shalt  }
0x6a: {  	_ =	shalt  }
0x6b: {  	_ =	shalt  }
0x6c: {  	_ =	shalt  }
0x6d: {  	_ =	shalt  }
0x6e: {  	_ =	shalt  }
0x6f: {  	_ =	shalt  }
0x70: {  	_ =	shalt  }
0x71: {  	_ =	shalt  }
0x72: {  	_ =	shalt  }
0x73: {  	_ =	shalt  }
0x74: {  	_ =	shalt  }
0x75: {  	_ =	shalt  }
0x76: {  	_ =	shalt  }
0x77: {  	_ =	shalt  }
0x78: {  	_ =	shalt  }
0x79: {  	_ =	shalt  }
0x7a: {  	_ =	shalt  }
0x7b: {  	_ =	shalt  }
0x7c: {  	_ =	shalt  }
0x7d: {  	_ =	shalt  }
0x7e: {  	_ =	shalt  }
0x7f: {  	_ =	shalt  }
0x80: {  	_ =	shalt  }
0x81: {  	_ =	shalt  }
0x82: {  	_ =	shalt  }
0x83: {  	_ =	shalt  }
0x84: {  	_ =	shalt  }
0x85: {  	_ =	shalt  }
0x86: {  	_ =	shalt  }
0x87: {  	_ =	shalt  }
.Lfunc_end0:
.L_simem_size_0:
called_computation_lowered:
.L_overlay_start_0:
0x88: {  	s2 =	sld [smem:$0x3FD9]  }
0x89: {  	s3 =	sld [smem:$0x3FFE];
	_ =	sdelay $0x1  }
0x8a: {  	s1 =	srdreg.scid  }
0x8b: {  	s0 =	sand.u32 $0x1, s1  }
0x8c: {  	s17 =	sshll.u32 s0, $0xA;
	s2 =	sadd.s32 s3, s2  }
0x8d: {  	s2 =	sadd.s32 s2, s17  }
0x8e: {  	[smem:$0x3FC4] =	sst s2  }
0x8f: {  	_ = 	snop  }
0x90: {  	s2 =	sld [smem:$0x3FC9]  }
0x91: {  	s18 =	sld [smem:$0x3FD0];
	(tm) =	ssettm $0x1  }
0x92: {  	s4 =	sld [smem:$0x3FFB];
	_ =	sdelay $0x3  }
0x93: {  	_ =	strace s4  }
0x94: {  	s4 =	sld [smem:$0x3FFC];
	_ =	sdelay $0x3  }
0x95: {  	_ =	strace s4  }
0x96: {  	s4 =	sld [smem:$0x3FFD];
	_ =	sdelay $0x3  }
0x97: {  	_ =	strace s4  }
0x98: {  	_ =	strace $0x8FFFFFFF  }
0x99: {  	s19 =	sld [smem:$0x3FDB];
	_ =	sdelay $0x1  }
0x9a: {  	s5 =	simm.s32 $_scs_section_size  }
0x9b: {  	s6 =	simm.s32 $_size__tile_overlayer_lowered;
	s7 =	simm.s32 $_tile_overlayer_lowered  }
0x9c: {  	s22 =	simm.s32 $0x1BFF;
	s21 =	sshll.u32 s7, $0x1;
	s4 =	sadd.s32 s5, s19  }
0x9d: {  	s8 =	simm.s32 $0x0;
	s20 =	sshll.u32 s6, $0x1;
	s6 =	sadd.s32 s21, s4  }
0x9e: {  	[timem:s8], [sflag:s22] =	dma.local [hbm:s6], s20  }
0x9f: {  	_ =	swait.ge [sflag:s22], s20  }
0xa0: {  	s5 =	ssub.s32 $0x0, s20;
	[sflag:s22] =	ssyncset.done $0x0  }
0xa1: {  	[sflag:s22] =	ssyncadd.s32 s5;
	_ =	sdelay $0x1  }
0xa2: {  	s23 =	simm.s32 $0x1B8B  }
0xa3: {  	_ =	swait.ge [sflag:s23], $0x1  }
0xa4: {  	[sflag:s23] =	ssyncset.done $0x0  }
0xa5: {  	s25 =	simm.s32 $0x1B8E;
	s24 =	sld [smem:$0x3FFE];
	[sflag:s23] =	ssyncadd.s32 $0xFFFFFFFF  }
0xa6: {  	s26 =	simm.s32 $execute0_lowered;
	[smem:$0x3FD2] =	sst s25  }
0xa7: {  	s6 =	sshll.u32 s26, $0x1;
	_ =	strace $0x80000046;
	[dreg:$0x1] =	wrdreg $0xFFFFFFFF  }
0xa8: {  	s28 =	simm.s32 $_size_execute0_lowered;
	s4 =	sadd.s32 s4, s6;
	[dreg:$0x0] =	wrdreg $0x0  }
0xa9: {  	s6 =	sshll.u32 s28, $0x1;
	[dreg:$0x2] =	wrdreg s4  }
0xaa: {  	[dreg:$0x3] =	wrdreg s6  }
0xab: {  	[dreg:$0x4] =	wrdreg $0xC0  }
0xac: {  	_ =	task [dreg:s8], $0x5FFFF  }
0xad: {  	[dreg:$0x1] =	wrdreg $0xFFFFFFFF  }
0xae: {  	[dreg:$0x0] =	wrdreg $0x60  }
0xaf: {  	[dreg:$0x2] =	wrdreg s2  }
0xb0: {  	[dreg:$0x3] =	wrdreg s24  }
0xb1: {  	[dreg:$0x4] =	wrdreg s18  }
0xb2: {  	[dreg:$0x5] =	wrdreg $0xA8800  }
0xb3: {  	[dreg:$0x6] =	wrdreg $0x1E8800  }
0xb4: {  	[dreg:$0x7] =	wrdreg $0x9  }
0xb5: {  	_ =	task.clear_ibuf [dreg:s8], $0x8FFFF;
	_ =	strace $0x90000046  }
0xb6: {  	s29 =	simm.s32 $0x9;
	_ =	strace $0x80000048  }
0xb7: {  	_ =	swait.ge [sflag:s29], $0x1  }
0xb8: {  	[sflag:s29] =	ssyncadd.s32 $0xFFFFFFFF  }
0xb9: {  	_ =	strace $0x90000048  }
0xba: {  	_ =	sfence  }
0xbb: {  	s30 =	sld [smem:$0x0];
	_ =	sdelay $0x2  }
0xbc: {  	s31 =	sshll.u32 s1, $0xD;
	s1 =	sshrl.u32 s1, $0x2  }
0xbd: {  	s3 =	sand.u32 $0x4000, s31;
	s1 =	sadd.s32 s1, s30  }
0xbe: {  	s0 =	sor.u32 s3, s0;
	s1 =	sshll.u32 s1, $0x11  }
0xbf: {  	s0 =	sor.u32 s1, s0  }
0xc0: {  	s0 =	sadd.s32 $0x8F2B, s0  }
0xc1: {  	[sflag:s0] =	ssyncadd.remote.s32 $0x1  }
0xc2: {  	_ =	sfence.sel $0xFFFF  }
0xc3: {  	[dreg:$0x0] =	wrdreg $0xFFFFFFFF;
	(pc) =	sbr.abs _section_cstart, $3  }
0xc4: {  	[dreg:$0x1] =	wrdreg $0xFFFFFFFF  }
0xc5: {  	_ =	task.clear_ibuf [dreg:s8], $0x2FFFF;
	_ =	strace $0x9FFFFFFF  }
0xc6: {  	(tm) =	ssettm $0x7FFFFFFF  }
0xc7: {  	_ =	shalt  }
tec
execute0_lowered:
.L_overlay_start_1:
0x0: {  	(tag) =	ssettag $0x1  }
0x1: {  	s1 =	rddreg [dreg:$0x0]  }
0x2: {  	s0 =	rddreg [dreg:$0x1]  }
0x3: {  	s4 =	rddreg [dreg:$0x2]  }
0x4: {  	s2 =	rddreg [dreg:$0x3]  }
0x5: {  	s3 =	rddreg [dreg:$0x4];
	s5 =	simm.s32 $0x0;
	s16 =	stileid.u32  }
0x6: {  	s8 =	srdreg.scid;
	s28 =	simm.s32 $0x5;
	s7 =	smul.u32 $0x14000, s16  }
0x7: {  	s29 =	simm.s32 $0x4;
	s30 =	simm.s32 $0x6;
	s10 =	smul.u32 $0x280, s16  }
0x8: {  	s31 =	simm.s32 $0x2700;
	[smem:$0x7FF] =	sst s5;
	s15 =	smul.u32 $0x50000, s16  }
0x9: {  	s6 =	sadd.s32 $0x1E00, s0;
	s8 =	sand.u32 $0x1, s8;
	s23 =	smul.u32 $0x500, s16  }
0xa: {  	s9 =	sadd.s32 $0xBE00, s0;
	_ =	strace $0x80000047;
	s12 =	smul.u32 $0x140000, s8  }
0xb: {  	s13 =	sshll.u32 s8, $0x4;
	s18 =	ssub.s32 $0x2, s8;
	s8 =	sshll.u32 s8, $0x7  }
0xc: {  	s11 =	sshrl.u32 s7, $0x3;
	s14 =	sshrl.u32 s10, $0x3;
	s13 =	sor.u32 s16, s13  }
0xd: {  	s19 =	sshrl.u32 s18, $0x1;
	s21 =	sshrl.u32 s15, $0x2;
	s10 =	sadd.s32 s10, s3  }
0xe: {  	s8 =	sor.u32 s8, s23;
	s23 =	simm.s32 $0x1;
	s11 =	sadd.s32 s11, s0  }
0xf: {  	s14 =	sadd.s32 s14, s0;
	s7 =	sadd.s32 s7, s12;
	s17 =	smul.u32 $0x2800, s13  }
0x10: {  	s13 =	sadd.s32 s21, s2;
	[dreg:$0xa] =	wrdreg s10;
	s26 =	sshrl.u32 s8, $0x3  }
0x11: {  	s21 =	simm.s32 $0x80;
	s7 =	sshrl.u32 s7, $0x3;
	[dreg:$0x8] =	wrdreg s13  }
0x12: {  	s11 =	sadd.s32 $0x15E00, s11;
	s24 =	sadd.s32 $0x3DE00, s14;
	s15 =	sadd.s32 s4, s26  }
0x13: {  	s26 =	simm.s32 $0x3;
	s4 =	simm.s32 $0x0;
	s0 =	sadd.s32 s7, s0  }
0x14: {  	s12 =	sshrl.u32 s17, $0x3;
	s7 =	ssub.s32 s18, s19;
	[dreg:$0x9] =	wrdreg s11  }
0x15: {  	[dreg:$0xb] =	wrdreg s24;
	s17 =	simm.s32 $0x7;
	s18 =	simm.s32 $0x1400  }
0x16: {  	s19 =	simm.s32 $0x7D;
	s24 =	simm.s32 $0xA800;
	s20 =	sadd.s32 s6, s12  }
0x17: {  	s22 =	sadd.s32 s9, s12;
	s25 =	sadd.s32 $0x280, s12;
	s14 =	sadd.s32 $0x3E400, s0  }
0x18: {  	s16 =	smax.u32 s7, $0x1;
	s0 =	simm.s32 $0x2780;
	[dreg:$0x6] =	wrdreg s20  }
0x19: {  	[dreg:$0x7] =	wrdreg s22;
	s12 =	sadd.s32 s6, s25;
	s13 =	sadd.s32 s9, s25  }
0x1a: {  	v0 =	vimm.f32 $1.000000000e+00;
	s20 =	simm.s32 $0x2800;
	s22 =	simm.s32 $0x6800;
	s25 =	simm.s32 $0x2  }
.LBB2_1:
0x1b: {  	s6 =	rddreg [dreg:$0x6]  }
0x1c: {  	[tilespmem:s5], [sflag:$0x7] =	stream.linear.gather [hbm4b:s6+s5], $0x1400, $0x38;
	[tilespmem:$0x1EB00] =	vst v63  }
0x1d: {  	_ =	swait.ge [sflag:s17], $0x1400  }
0x1e: {  	[sflag:s17] =	ssyncset.done $0x0  }
0x1f: {  	s8 =	rddreg [dreg:$0x7];
	[sflag:s17] =	ssyncadd.s32 $0xFFFFEC00  }
0x20: {  	[tilespmem:s18], [sflag:$0x7] =	stream.linear.gather [hbm4b:s8+s5], $0x1400, $0x38;
	[tilespmem:$0x1EB00] =	vst v63  }
0x21: {  	_ =	swait.ge [sflag:s17], $0x1400  }
0x22: {  	[sflag:s17] =	ssyncset.done $0x0  }
0x23: {  	[sflag:s17] =	ssyncadd.s32 $0xFFFFEC00  }
0x24: {  	[tilespmem:s20], [sflag:$0x1] =	stream.indirect.gather [hbm4b:s1+s19], $0x80, s5, s19, $0xb8;
	[tilespmem:$0x1EB00] =	vst v63  }
0x25: {  	_ = 	snop  }
0x26: {  	[tilespmem:s22], [sflag:$0x2] =	stream.indirect.gather [hbm4b:s1+s19], $0x80, s21, s19, $0xb8;
	[tilespmem:$0x1EB00] =	vst v63  }
0x27: {  	[tilespmem:$0xA800] =	vst v0  }
0x28: {  	[tilespmem:$0xA810] =	vst v0  }
0x29: {  	[tilespmem:$0xA820] =	vst v0  }
0x2a: {  	[tilespmem:$0xA830] =	vst v0  }
0x2b: {  	[tilespmem:$0xA840] =	vst v0  }
0x2c: {  	s9 =	stileid.u32;
	[tilespmem:$0xA850] =	vst v0  }
0x2d: {  	s6 =	sshll.u32 s9, $0x6;
	s7 =	rddreg [dreg:$0x8];
	[tilespmem:$0xA860] =	vst v0  }
0x2e: {  	s6 =	sor.u32 $0x1C07, s6;
	s8 =	rddreg [dreg:$0x9];
	s7 =	sshrl.u32 s7, $0x3;
	[tilespmem:$0xA86D] =	vst v0  }
0x2f: {  	[spmem:s7], [sflag:s6] =	dma.local [hbm:s8], $0x2800  }
0x30: {  	_ =	swait.ge [sflag:s17], $0x2800  }
0x31: {  	[sflag:s17] =	ssyncset.done $0x0;
	s10 =	rddreg [dreg:$0xa]  }
0x32: {  	s9 =	rddreg [dreg:$0xb];
	[sflag:s17] =	ssyncadd.s32 $0xFFFFD800;
	s8 =	sshrl.u32 s10, $0x3  }
0x33: {  	[spmem:s8], [sflag:s6] =	dma.local [hbm:s9], $0x50  }
0x34: {  	_ =	swait.ge [sflag:s17], $0x50  }
0x35: {  	[sflag:s17] =	ssyncset.done $0x0  }
0x36: {  	[sflag:s17] =	ssyncadd.s32 $0xFFFFFFB0  }
0x37: {  	[bflag:$0x0] =	sbarrier.arrive $0xFFFF  }
0x38: {  	_ =	swait.ge [sflag:s23], $0x3E80  }
0x39: {  	[sflag:s23] =	ssyncset.done $0x0  }
0x3a: {  	s11 =	simm.s32 $0x1400;
	[sflag:s23] =	ssyncadd.s32 $0xFFFFC180  }
0x3b: {  	[spmem:s2] =	stream.indirect.scatter.add.f32 [tilespmem:s20], [sflag:$0x3], $0x80, s11, s19, $0xb8;
	[tilespmem:$0x1EB00] =	vst v63  }
0x3c: {  	_ = 	snop  }
0x3d: {  	[spmem:s3] =	stream.indirect.scatter.add.f32 [tilespmem:s24], [sflag:$0x5], $0x1, s11, s19, $0xb8;
	[tilespmem:$0x1EB00] =	vst v63  }
0x3e: {  	_ =	swait.ge [sflag:s25], $0x3E80  }
0x3f: {  	[sflag:s25] =	ssyncset.done $0x0  }
0x40: {  	[sflag:s25] =	ssyncadd.s32 $0xFFFFC180  }
0x41: {  	_ =	swait.ge [sflag:s26], $0x3E80  }
0x42: {  	[sflag:s26] =	ssyncset.done $0x0  }
0x43: {  	[sflag:s26] =	ssyncadd.s32 $0xFFFFC180  }
0x44: {  	_ =	swait.ge [sflag:s28], $0x7D  }
0x45: {  	[sflag:s28] =	ssyncset.done $0x0  }
0x46: {  	s10 =	simm.s32 $0x100;
	[sflag:s28] =	ssyncadd.s32 $0xFFFFFF83  }
0x47: {  	[tilespmem:s20], [sflag:$0x1] =	stream.indirect.gather [hbm4b:s1+s19], $0x80, s10, s19, $0xb8;
	[tilespmem:$0x1EB00] =	vst v63  }
0x48: {  	s11 =	simm.s32 $0x1480  }
0x49: {  	[spmem:s2] =	stream.indirect.scatter.add.f32 [tilespmem:s22], [sflag:$0x4], $0x80, s11, s19, $0xb8;
	[tilespmem:$0x1EB00] =	vst v63  }
0x4a: {  	_ = 	snop  }
0x4b: {  	[spmem:s3] =	stream.indirect.scatter.add.f32 [tilespmem:s24], [sflag:$0x6], $0x1, s11, s19, $0xb8;
	[tilespmem:$0x1EB00] =	vst v63  }
0x4c: {  	_ =	swait.ge [sflag:s29], $0x3E80  }
0x4d: {  	[sflag:s29] =	ssyncset.done $0x0  }
0x4e: {  	[sflag:s29] =	ssyncadd.s32 $0xFFFFC180  }
0x4f: {  	_ =	swait.ge [sflag:s30], $0x7D  }
0x50: {  	[sflag:s30] =	ssyncset.done $0x0  }
0x51: {  	s9 =	simm.s32 $0x400;
	s10 =	simm.s32 $0x180;
	[sflag:s30] =	ssyncadd.s32 $0xFFFFFF83  }
.LBB2_2:
0x52: {  	[tilespmem:s22], [sflag:$0x2] =	stream.indirect.gather [hbm4b:s1+s19], $0x80, s10, s19, $0xb8;
	[tilespmem:$0x1EB00] =	vst v63  }
0x53: {  	s10 =	smov.u32 s9  }
0x54: {  	p0 =	sne.s32 s9, $0x4800;
	s9 =	sadd.s32 $0x400, s9;
	_ =	swait.ge [sflag:s23], $0x3E80  }
0x55: {  	s10 =	sshra.s32 s10, $0x2;
	[sflag:s23] =	ssyncset.done $0x0  }
0x56: {  	s11 =	sadd.s32 $0x1400, s10;
	[sflag:s23] =	ssyncadd.s32 $0xFFFFC180  }
0x57: {  	[spmem:s2] =	stream.indirect.scatter.add.f32 [tilespmem:s20], [sflag:$0x3], $0x80, s11, s19, $0xb8;
	[tilespmem:$0x1EB00] =	vst v63  }
0x58: {  	_ = 	snop  }
0x59: {  	[spmem:s3] =	stream.indirect.scatter.add.f32 [tilespmem:s24], [sflag:$0x5], $0x1, s11, s19, $0xb8;
	[tilespmem:$0x1EB00] =	vst v63  }
0x5a: {  	_ =	swait.ge [sflag:s25], $0x3E80  }
0x5b: {  	[sflag:s25] =	ssyncset.done $0x0  }
0x5c: {  	[sflag:s25] =	ssyncadd.s32 $0xFFFFC180  }
0x5d: {  	_ =	swait.ge [sflag:s26], $0x3E80  }
0x5e: {  	[sflag:s26] =	ssyncset.done $0x0  }
0x5f: {  	[sflag:s26] =	ssyncadd.s32 $0xFFFFC180  }
0x60: {  	_ =	swait.ge [sflag:s28], $0x7D  }
0x61: {  	[sflag:s28] =	ssyncset.done $0x0  }
0x62: {  	s11 =	sadd.s32 $0x100, s10;
	[sflag:s28] =	ssyncadd.s32 $0xFFFFFF83  }
0x63: {  	[tilespmem:s20], [sflag:$0x1] =	stream.indirect.gather [hbm4b:s1+s19], $0x80, s11, s19, $0xb8;
	[tilespmem:$0x1EB00] =	vst v63  }
0x64: {  	s11 =	sadd.s32 $0x1480, s10  }
0x65: {  	[spmem:s2] =	stream.indirect.scatter.add.f32 [tilespmem:s22], [sflag:$0x4], $0x80, s11, s19, $0xb8;
	[tilespmem:$0x1EB00] =	vst v63  }
0x66: {  	_ = 	snop  }
0x67: {  	[spmem:s3] =	stream.indirect.scatter.add.f32 [tilespmem:s24], [sflag:$0x6], $0x1, s11, s19, $0xb8;
	[tilespmem:$0x1EB00] =	vst v63  }
0x68: {  	_ =	swait.ge [sflag:s29], $0x3E80  }
.Ltmp0:
0x69: {  	[sflag:s29] =	ssyncset.done $0x0;
	(pc) =	sbr.rel @p0 .LBB2_2-.Ltmp0, $4  }
0x6a: {  	[sflag:s29] =	ssyncadd.s32 $0xFFFFC180  }
0x6b: {  	_ =	swait.ge [sflag:s30], $0x7D  }
0x6c: {  	[sflag:s30] =	ssyncset.done $0x0  }
0x6d: {  	s10 =	sadd.s32 $0x180, s10;
	[sflag:s30] =	ssyncadd.s32 $0xFFFFFF83  }
0x6e: {  	[tilespmem:s22], [sflag:$0x2] =	stream.indirect.gather [hbm4b:s1+s19], $0x80, s10, s19, $0xb8;
	[tilespmem:$0x1EB00] =	vst v63  }
0x6f: {  	_ =	swait.ge [sflag:s23], $0x3E80  }
0x70: {  	[sflag:s23] =	ssyncset.done $0x0  }
0x71: {  	[sflag:s23] =	ssyncadd.s32 $0xFFFFC180  }
0x72: {  	[spmem:s2] =	stream.indirect.scatter.add.f32 [tilespmem:s20], [sflag:$0x3], $0x80, s31, s19, $0xb8;
	[tilespmem:$0x1EB00] =	vst v63  }
0x73: {  	_ = 	snop  }
0x74: {  	[spmem:s3] =	stream.indirect.scatter.add.f32 [tilespmem:s24], [sflag:$0x5], $0x1, s31, s19, $0xb8;
	[tilespmem:$0x1EB00] =	vst v63  }
0x75: {  	_ =	swait.ge [sflag:s25], $0x3E80  }
0x76: {  	[sflag:s25] =	ssyncset.done $0x0  }
0x77: {  	[sflag:s25] =	ssyncadd.s32 $0xFFFFC180  }
0x78: {  	_ =	swait.ge [sflag:s26], $0x3E80  }
0x79: {  	[sflag:s26] =	ssyncset.done $0x0  }
0x7a: {  	[sflag:s26] =	ssyncadd.s32 $0xFFFFC180  }
0x7b: {  	_ =	swait.ge [sflag:s28], $0x7D  }
0x7c: {  	[sflag:s28] =	ssyncset.done $0x0  }
0x7d: {  	[sflag:s28] =	ssyncadd.s32 $0xFFFFFF83  }
0x7e: {  	[spmem:s2] =	stream.indirect.scatter.add.f32 [tilespmem:s22], [sflag:$0x4], $0x80, s0, s19, $0xb8;
	[tilespmem:$0x1EB00] =	vst v63  }
0x7f: {  	_ = 	snop  }
0x80: {  	[spmem:s3] =	stream.indirect.scatter.add.f32 [tilespmem:s24], [sflag:$0x6], $0x1, s0, s19, $0xb8;
	[tilespmem:$0x1EB00] =	vst v63  }
0x81: {  	_ =	swait.ge [sflag:s29], $0x3E80  }
0x82: {  	[sflag:s29] =	ssyncset.done $0x0  }
0x83: {  	[sflag:s29] =	ssyncadd.s32 $0xFFFFC180  }
0x84: {  	_ =	swait.ge [sflag:s30], $0x7D  }
0x85: {  	[sflag:s30] =	ssyncset.done $0x0  }
0x86: {  	s9 =	simm.s32 $0x0;
	[sflag:s30] =	ssyncadd.s32 $0xFFFFFF83  }
0x87: {  	[tilespmem:s9], [sflag:$0x7] =	stream.linear.gather [hbm4b:s12+s9], $0x1400, $0x38;
	[tilespmem:$0x1EB00] =	vst v63  }
0x88: {  	_ =	swait.ge [sflag:s17], $0x1400  }
0x89: {  	[sflag:s17] =	ssyncset.done $0x0  }
0x8a: {  	[sflag:s17] =	ssyncadd.s32 $0xFFFFEC00  }
0x8b: {  	[tilespmem:s18], [sflag:$0x7] =	stream.linear.gather [hbm4b:s13+s9], $0x1400, $0x38;
	[tilespmem:$0x1EB00] =	vst v63  }
0x8c: {  	_ =	swait.ge [sflag:s17], $0x1400  }
0x8d: {  	[sflag:s17] =	ssyncset.done $0x0  }
0x8e: {  	[sflag:s17] =	ssyncadd.s32 $0xFFFFEC00  }
0x8f: {  	[tilespmem:s20], [sflag:$0x1] =	stream.indirect.gather [hbm4b:s1+s19], $0x80, s9, s19, $0xb8;
	[tilespmem:$0x1EB00] =	vst v63  }
0x90: {  	_ = 	snop  }
0x91: {  	[tilespmem:s22], [sflag:$0x2] =	stream.indirect.gather [hbm4b:s1+s19], $0x80, s21, s19, $0xb8;
	[tilespmem:$0x1EB00] =	vst v63  }
0x92: {  	_ =	swait.ge [sflag:s23], $0x3E80  }
0x93: {  	[sflag:s23] =	ssyncset.done $0x0  }
0x94: {  	s11 =	simm.s32 $0x1400;
	[sflag:s23] =	ssyncadd.s32 $0xFFFFC180  }
0x95: {  	[spmem:s2] =	stream.indirect.scatter.add.f32 [tilespmem:s20], [sflag:$0x3], $0x80, s11, s19, $0xb8;
	[tilespmem:$0x1EB00] =	vst v63  }
0x96: {  	_ = 	snop  }
0x97: {  	[spmem:s3] =	stream.indirect.scatter.add.f32 [tilespmem:s24], [sflag:$0x5], $0x1, s11, s19, $0xb8;
	[tilespmem:$0x1EB00] =	vst v63  }
0x98: {  	_ =	swait.ge [sflag:s25], $0x3E80  }
0x99: {  	[sflag:s25] =	ssyncset.done $0x0  }
0x9a: {  	[sflag:s25] =	ssyncadd.s32 $0xFFFFC180  }
0x9b: {  	_ =	swait.ge [sflag:s26], $0x3E80  }
0x9c: {  	[sflag:s26] =	ssyncset.done $0x0  }
0x9d: {  	[sflag:s26] =	ssyncadd.s32 $0xFFFFC180  }
0x9e: {  	_ =	swait.ge [sflag:s28], $0x7D  }
0x9f: {  	[sflag:s28] =	ssyncset.done $0x0  }
0xa0: {  	s10 =	simm.s32 $0x100;
	[sflag:s28] =	ssyncadd.s32 $0xFFFFFF83  }
0xa1: {  	[tilespmem:s20], [sflag:$0x1] =	stream.indirect.gather [hbm4b:s1+s19], $0x80, s10, s19, $0xb8;
	[tilespmem:$0x1EB00] =	vst v63  }
0xa2: {  	s11 =	simm.s32 $0x1480  }
0xa3: {  	[spmem:s2] =	stream.indirect.scatter.add.f32 [tilespmem:s22], [sflag:$0x4], $0x80, s11, s19, $0xb8;
	[tilespmem:$0x1EB00] =	vst v63  }
0xa4: {  	_ = 	snop  }
0xa5: {  	[spmem:s3] =	stream.indirect.scatter.add.f32 [tilespmem:s24], [sflag:$0x6], $0x1, s11, s19, $0xb8;
	[tilespmem:$0x1EB00] =	vst v63  }
0xa6: {  	_ =	swait.ge [sflag:s29], $0x3E80  }
0xa7: {  	[sflag:s29] =	ssyncset.done $0x0  }
0xa8: {  	[sflag:s29] =	ssyncadd.s32 $0xFFFFC180  }
0xa9: {  	_ =	swait.ge [sflag:s30], $0x7D  }
0xaa: {  	[sflag:s30] =	ssyncset.done $0x0  }
0xab: {  	s9 =	simm.s32 $0x400;
	s10 =	simm.s32 $0x180;
	[sflag:s30] =	ssyncadd.s32 $0xFFFFFF83  }
.LBB2_4:
0xac: {  	[tilespmem:s22], [sflag:$0x2] =	stream.indirect.gather [hbm4b:s1+s19], $0x80, s10, s19, $0xb8;
	[tilespmem:$0x1EB00] =	vst v63  }
0xad: {  	s10 =	smov.u32 s9  }
0xae: {  	p0 =	sne.s32 s9, $0x4800;
	s9 =	sadd.s32 $0x400, s9;
	_ =	swait.ge [sflag:s23], $0x3E80  }
0xaf: {  	s10 =	sshra.s32 s10, $0x2;
	[sflag:s23] =	ssyncset.done $0x0  }
0xb0: {  	s11 =	sadd.s32 $0x1400, s10;
	[sflag:s23] =	ssyncadd.s32 $0xFFFFC180  }
0xb1: {  	[spmem:s2] =	stream.indirect.scatter.add.f32 [tilespmem:s20], [sflag:$0x3], $0x80, s11, s19, $0xb8;
	[tilespmem:$0x1EB00] =	vst v63  }
0xb2: {  	_ = 	snop  }
0xb3: {  	[spmem:s3] =	stream.indirect.scatter.add.f32 [tilespmem:s24], [sflag:$0x5], $0x1, s11, s19, $0xb8;
	[tilespmem:$0x1EB00] =	vst v63  }
0xb4: {  	_ =	swait.ge [sflag:s25], $0x3E80  }
0xb5: {  	[sflag:s25] =	ssyncset.done $0x0  }
0xb6: {  	[sflag:s25] =	ssyncadd.s32 $0xFFFFC180  }
0xb7: {  	_ =	swait.ge [sflag:s26], $0x3E80  }
0xb8: {  	[sflag:s26] =	ssyncset.done $0x0  }
0xb9: {  	[sflag:s26] =	ssyncadd.s32 $0xFFFFC180  }
0xba: {  	_ =	swait.ge [sflag:s28], $0x7D  }
0xbb: {  	[sflag:s28] =	ssyncset.done $0x0  }
0xbc: {  	s11 =	sadd.s32 $0x100, s10;
	[sflag:s28] =	ssyncadd.s32 $0xFFFFFF83  }
0xbd: {  	[tilespmem:s20], [sflag:$0x1] =	stream.indirect.gather [hbm4b:s1+s19], $0x80, s11, s19, $0xb8;
	[tilespmem:$0x1EB00] =	vst v63  }
0xbe: {  	s11 =	sadd.s32 $0x1480, s10  }
0xbf: {  	[spmem:s2] =	stream.indirect.scatter.add.f32 [tilespmem:s22], [sflag:$0x4], $0x80, s11, s19, $0xb8;
	[tilespmem:$0x1EB00] =	vst v63  }
0xc0: {  	_ = 	snop  }
0xc1: {  	[spmem:s3] =	stream.indirect.scatter.add.f32 [tilespmem:s24], [sflag:$0x6], $0x1, s11, s19, $0xb8;
	[tilespmem:$0x1EB00] =	vst v63  }
0xc2: {  	_ =	swait.ge [sflag:s29], $0x3E80  }
.Ltmp1:
0xc3: {  	[sflag:s29] =	ssyncset.done $0x0;
	(pc) =	sbr.rel @p0 .LBB2_4-.Ltmp1, $4  }
0xc4: {  	[sflag:s29] =	ssyncadd.s32 $0xFFFFC180  }
0xc5: {  	_ =	swait.ge [sflag:s30], $0x7D  }
0xc6: {  	[sflag:s30] =	ssyncset.done $0x0  }
0xc7: {  	s10 =	sadd.s32 $0x180, s10;
	[sflag:s30] =	ssyncadd.s32 $0xFFFFFF83  }
0xc8: {  	[tilespmem:s22], [sflag:$0x2] =	stream.indirect.gather [hbm4b:s1+s19], $0x80, s10, s19, $0xb8;
	[tilespmem:$0x1EB00] =	vst v63  }
0xc9: {  	_ =	swait.ge [sflag:s23], $0x3E80  }
0xca: {  	[sflag:s23] =	ssyncset.done $0x0  }
0xcb: {  	[sflag:s23] =	ssyncadd.s32 $0xFFFFC180  }
0xcc: {  	[spmem:s2] =	stream.indirect.scatter.add.f32 [tilespmem:s20], [sflag:$0x3], $0x80, s31, s19, $0xb8;
	[tilespmem:$0x1EB00] =	vst v63  }
0xcd: {  	_ = 	snop  }
0xce: {  	[spmem:s3] =	stream.indirect.scatter.add.f32 [tilespmem:s24], [sflag:$0x5], $0x1, s31, s19, $0xb8;
	[tilespmem:$0x1EB00] =	vst v63  }
0xcf: {  	_ =	swait.ge [sflag:s25], $0x3E80  }
0xd0: {  	[sflag:s25] =	ssyncset.done $0x0  }
0xd1: {  	[sflag:s25] =	ssyncadd.s32 $0xFFFFC180  }
0xd2: {  	_ =	swait.ge [sflag:s26], $0x3E80  }
0xd3: {  	[sflag:s26] =	ssyncset.done $0x0  }
0xd4: {  	[sflag:s26] =	ssyncadd.s32 $0xFFFFC180  }
0xd5: {  	_ =	swait.ge [sflag:s28], $0x7D  }
0xd6: {  	[sflag:s28] =	ssyncset.done $0x0  }
0xd7: {  	[sflag:s28] =	ssyncadd.s32 $0xFFFFFF83  }
0xd8: {  	[spmem:s2] =	stream.indirect.scatter.add.f32 [tilespmem:s22], [sflag:$0x4], $0x80, s0, s19, $0xb8;
	[tilespmem:$0x1EB00] =	vst v63  }
0xd9: {  	_ = 	snop  }
0xda: {  	[spmem:s3] =	stream.indirect.scatter.add.f32 [tilespmem:s24], [sflag:$0x6], $0x1, s0, s19, $0xb8;
	[tilespmem:$0x1EB00] =	vst v63  }
0xdb: {  	_ =	swait.ge [sflag:s29], $0x3E80  }
0xdc: {  	[sflag:s29] =	ssyncset.done $0x0  }
0xdd: {  	[sflag:s29] =	ssyncadd.s32 $0xFFFFC180  }
0xde: {  	_ =	swait.ge [sflag:s30], $0x7D  }
0xdf: {  	[sflag:s30] =	ssyncset.done $0x0  }
0xe0: {  	[sflag:s30] =	ssyncadd.s32 $0xFFFFFF83  }
0xe1: {  	[bflag:$0x0] =	sbarrier.arrive $0xFFFF  }
0xe2: {  	[hbm:s14], [sflag:s6] =	dma.local [spmem:s7], $0x2800  }
0xe3: {  	s4 =	sadd.s32 $0x1, s4;
	_ =	swait.ge [sflag:s17], $0x2800  }
0xe4: {  	s11 =	simm.s32 $0x20;
	p0 =	sne.s32 s4, s16;
	[sflag:s17] =	ssyncset.done $0x0  }
.Ltmp2:
0xe5: {  	s9 =	simm.s32 $0x10;
	[sflag:s17] =	ssyncadd.s32 $0xFFFFD800;
	(pc) =	sbr.rel @p0 .LBB2_1-.Ltmp2, $4  }
0xe6: {  	[hbm:s15@s11], [sflag:s6] =	dma.strided [spmem:s8@s9], $0x50, s23, $0x10   }
0xe7: {  	_ =	swait.ge [sflag:s17], $0x50  }
0xe8: {  	[sflag:s17] =	ssyncset.done $0x0  }
0xe9: {  	[sflag:s17] =	ssyncadd.s32 $0xFFFFFFB0  }
0xea: {  	_ =	sfence.sel $0x180000  }
0xeb: {  	[bflag:$0x0] =	sbarrier.arrive $0xFFFF  }
0xec: {  	_ =	strace $0x90000047  }
0xed: {  	s0 =	stileid.u32;
	[bflag:$0x2] =	sbarrier.arrive $0xFFFF  }
0xee: {  	p0 =	sne.s32 s0, $0x0;
	s0 =	rddreg [dreg:$0x5]  }
0xef: {  	s0 =	sadd.s32 @!p0 $0x100000, s0  }
0xf0: {  	[sflag:s0] =	ssyncadd.tile.s32 @!p0 $0x1;
	_ =	shalt  }
.Lfunc_end2:
_tile_overlayer_lowered:
.L_overlay_start_2:
0xf1: {  	(tag) =	ssettag $0x2  }
0xf2: {  	s0 =	rddreg [dreg:$0x0];
	s2 =	stileid.u32  }
0xf3: {  	s1 =	rddreg [dreg:$0x1];
	p0 =	sne.s32 s2, $0x0  }
0xf4: {  	s3 =	rddreg [dreg:$0x2];
	[bflag:$0x3] =	sbarrier.arrive $0xFFFF;
	s2 =	simm.s32 @!p0 $0x1C07  }
0xf5: {  	[timem:s3], [sflag:s2] =	dma.local @!p0 [hbm:s0], s1  }
0xf6: {  	s0 =	simm.s32 @!p0 $0x7  }
0xf7: {  	_ =	swait.ge @!p0 [sflag:s0], s1  }
0xf8: {  	s1 =	ssub.s32 @!p0 $0x0, s1;
	[sflag:s0] =	ssyncset.done @!p0 $0x0  }
0xf9: {  	[sflag:s0] =	ssyncadd.s32 @!p0 s1  }
0xfa: {  	[bflag:$0x3] =	sbarrier.arrive $0xFFFF  }
0xfb: {  	_ =	shalt  }

</sc_bundles>
